<compile_context>
chip_gen: v7x
topology: tpu7x:2x2x1
jax: 0.10.2.dev20260603
libtpu: 0.0.44.dev20260713+nightly
codegen_flags: <defaults>
</compile_context>

<pallas_src>
import functools

import jax
import jax.numpy as jnp
import numpy as np
from jax.experimental import pallas as pl
from jax.experimental.pallas import tpu as pltpu

N_NODES = 10000
N_EDGES = 160000
NUM_RBF = 64
EDGE_CH = 64
SPHERE_CH = 64
NUM_COEFF = 16
M0_COEFF = 4
MAX_ELEM = 90
ELEM_PAD = 96
HIDDEN = 128
RESCALE = 16.0

EB = 400
NB = N_EDGES // EB


def _tc_body(ed_ref, an_s_ref, an_d_ref, wig_ref, dst_ref,
             S_ref, T_ref, W1_ref, b1_ref, W2_ref, b2_ref, E_ref,
             lo_ref, hi_ref, cs_ref):
    i = pl.program_id(0)

    @pl.when(i == 0)
    def _init():
        lo_ref[...] = jnp.zeros_like(lo_ref)
        hi_ref[...] = jnp.zeros_like(hi_ref)

    ed = ed_ref[0]
    an_s = an_s_ref[0]
    an_d = an_d_ref[0]
    iot = jax.lax.broadcasted_iota(jnp.int32, (EB, ELEM_PAD), 1)
    oh_s = (an_s == iot).astype(jnp.float32)
    oh_d = (an_d == iot).astype(jnp.float32)
    x_src = jnp.dot(oh_s, S_ref[...], preferred_element_type=jnp.float32)
    x_dst = jnp.dot(oh_d, T_ref[...], preferred_element_type=jnp.float32)

    h = (jnp.dot(ed, W1_ref[0:NUM_RBF], preferred_element_type=jnp.float32)
         + jnp.dot(x_src, W1_ref[NUM_RBF:NUM_RBF + EDGE_CH],
                   preferred_element_type=jnp.float32)
         + jnp.dot(x_dst, W1_ref[NUM_RBF + EDGE_CH:],
                   preferred_element_type=jnp.float32)
         + b1_ref[...])
    h = jnp.maximum(h, 0.0)

    w64 = wig_ref[0]
    m0 = (jnp.dot(h, W2_ref[...], preferred_element_type=jnp.float32)
          + b2_ref[...]) * (1.0 / RESCALE)
    m0dup = jnp.concatenate(
        [m0[:, SPHERE_CH * j:SPHERE_CH * (j + 1)] for j in range(M0_COEFF)
         for _ in range(2)], axis=1)
    for r in range(8):
        wexp = jnp.dot(w64, E_ref[:, 512 * r:512 * (r + 1)],
                       preferred_element_type=jnp.float32)
        p = wexp * m0dup
        cs_ref[:, r, :] = (p[:, 0:128] + p[:, 128:256]
                           + p[:, 256:384] + p[:, 384:512])

    half = N_NODES // 2

    def body(e, carry):
        d = dst_ref[0, 0, e]
        c = cs_ref[e]
        zl = jnp.where(d < half, 1.0, 0.0)
        dl = jnp.minimum(d, half - 1)
        dh = jnp.maximum(d - half, 0)
        lo_ref[dl] = lo_ref[dl] + c * zl
        hi_ref[dh] = hi_ref[dh] + c * (1.0 - zl)
        return carry

    jax.lax.fori_loop(0, EB, body, 0, unroll=8)


def kernel(atomic_numbers, edge_distance, edge_index, wigner_inv,
           source_embedding, target_embedding, W1, b1, W2, b2):
    src = edge_index[0]
    dst = edge_index[1]
    an_src = jnp.take(atomic_numbers, src, axis=0).astype(jnp.int32)
    an_dst = jnp.take(atomic_numbers, dst, axis=0).astype(jnp.int32)

    ed = edge_distance.reshape(NB, EB, NUM_RBF)
    an_s = an_src.reshape(NB, EB, 1)
    an_d = an_dst.reshape(NB, EB, 1)
    wig = wigner_inv.transpose(0, 2, 1).reshape(NB, EB, M0_COEFF * NUM_COEFF)
    q_j, q_i = np.divmod(np.arange(64), 16)
    u = np.arange(4096)
    u_r, u_rem = np.divmod(u, 512)
    u_j, u_rem2 = np.divmod(u_rem, 128)
    u_d = u_rem2 // 64
    e_mat = ((q_j[:, None] == u_j[None, :])
             & (q_i[:, None] == 2 * u_r[None, :] + u_d[None, :]))
    E_all = jnp.asarray(e_mat.astype(np.float32))
    dst2d = dst.astype(jnp.int32).reshape(NB, 1, EB)
    S = jnp.zeros((ELEM_PAD, EDGE_CH), jnp.float32).at[:MAX_ELEM].set(source_embedding)
    T = jnp.zeros((ELEM_PAD, EDGE_CH), jnp.float32).at[:MAX_ELEM].set(target_embedding)
    b1r = b1.reshape(1, HIDDEN)
    b2r = b2.reshape(1, M0_COEFF * SPHERE_CH)

    in_specs = [
            pl.BlockSpec((1, EB, NUM_RBF), lambda i: (i, 0, 0)),
            pl.BlockSpec((1, EB, 1), lambda i: (i, 0, 0)),
            pl.BlockSpec((1, EB, 1), lambda i: (i, 0, 0)),
            pl.BlockSpec((1, EB, M0_COEFF * NUM_COEFF), lambda i: (i, 0, 0)),
            pl.BlockSpec((1, 1, EB), lambda i: (i, 0, 0), memory_space=pltpu.SMEM),
            pl.BlockSpec((ELEM_PAD, EDGE_CH), lambda i: (0, 0)),
            pl.BlockSpec((ELEM_PAD, EDGE_CH), lambda i: (0, 0)),
            pl.BlockSpec((NUM_RBF + 2 * EDGE_CH, HIDDEN), lambda i: (0, 0)),
            pl.BlockSpec((1, HIDDEN), lambda i: (0, 0)),
            pl.BlockSpec((HIDDEN, M0_COEFF * SPHERE_CH), lambda i: (0, 0)),
            pl.BlockSpec((1, M0_COEFF * SPHERE_CH), lambda i: (0, 0)),
            pl.BlockSpec((64, 4096), lambda i: (0, 0)),
    ]

    lo, hi = pl.pallas_call(
        _tc_body,
        grid=(NB,),
        in_specs=in_specs,
        out_specs=[
            pl.BlockSpec((N_NODES // 2, 8, 2 * SPHERE_CH), lambda i: (0, 0, 0)),
            pl.BlockSpec((N_NODES // 2, 8, 2 * SPHERE_CH), lambda i: (0, 0, 0)),
        ],
        out_shape=[
            jax.ShapeDtypeStruct((N_NODES // 2, 8, 2 * SPHERE_CH), jnp.float32),
            jax.ShapeDtypeStruct((N_NODES // 2, 8, 2 * SPHERE_CH), jnp.float32),
        ],
        scratch_shapes=[pltpu.VMEM((EB, 8, 2 * SPHERE_CH), jnp.float32)],
        compiler_params=pltpu.CompilerParams(
            dimension_semantics=("arbitrary",),
        ),
    )(ed, an_s, an_d, wig, dst2d, S, T, W1, b1r, W2, b2r, E_all)
    out = jnp.concatenate([lo, hi], axis=0)
    return out.reshape(N_NODES, NUM_COEFF, SPHERE_CH)

# --- scband reference (transcript-rebuilt; emitter-appended) ---
"""Pipeline reference for scband-edge-degree-embedding-2164663517596 (READ-ONLY COPY).

The authoritative reference and input builder live on the scoring server;
editing this copy changes nothing except your own understanding.
"""

import jax, jax.numpy as jnp
import numpy as np

N_NODES = 10000
N_EDGES = 160000
NUM_RBF = 64
EDGE_CH = 64
SPHERE_CH = 64
LMAX = 3
NUM_COEFF = (LMAX + 1) ** 2  # 16 total (l,m) coefficients for lmax=3
M0_COEFF = LMAX + 1          # 4 m=0 coefficients predicted by the radial MLP
MAX_ELEM = 90
HIDDEN = 128
RESCALE = 16.0


def setup_inputs(seed: int = 0) -> dict:
    key = jax.random.key(seed)
    ks = jax.random.split(key, 10)
    atomic_numbers = jax.random.randint(ks[0], (N_NODES,), 0, MAX_ELEM)
    edge_distance = jax.random.uniform(ks[1], (N_EDGES, NUM_RBF), dtype=jnp.float32)
    edge_index = jax.random.randint(ks[2], (2, N_EDGES), 0, N_NODES)
    # per-edge inverse Wigner rotation columns for the m=0 coefficients
    # (set externally by EquivarianceSupport.update_graph / SO3_Rotation.set_wigner)
    wigner_inv = jax.random.normal(ks[3], (N_EDGES, NUM_COEFF, M0_COEFF), dtype=jnp.float32) * 0.5
    # learned parameters
    source_embedding = jax.random.normal(ks[4], (MAX_ELEM, EDGE_CH), dtype=jnp.float32) * 0.02
    target_embedding = jax.random.normal(ks[5], (MAX_ELEM, EDGE_CH), dtype=jnp.float32) * 0.02
    in_dim = NUM_RBF + 2 * EDGE_CH
    W1 = jax.random.normal(ks[6], (in_dim, HIDDEN), dtype=jnp.float32) / np.sqrt(in_dim)
    b1 = jnp.zeros((HIDDEN,), dtype=jnp.float32)
    W2 = jax.random.normal(ks[7], (HIDDEN, M0_COEFF * SPHERE_CH), dtype=jnp.float32) / np.sqrt(HIDDEN)
    b2 = jnp.zeros((M0_COEFF * SPHERE_CH,), dtype=jnp.float32)
    return {
        'atomic_numbers': atomic_numbers,
        'edge_distance': edge_distance,
        'edge_index': edge_index,
        'wigner_inv': wigner_inv,
        'source_embedding': source_embedding,
        'target_embedding': target_embedding,
        'W1': W1, 'b1': b1, 'W2': W2, 'b2': b2,
    }


def reference(atomic_numbers, edge_distance, edge_index, wigner_inv,
              source_embedding, target_embedding, W1, b1, W2, b2):
    src = edge_index[0]
    dst = edge_index[1]
    # atom-edge embeddings: gather atomic numbers per edge endpoint, then embed
    x_src = jnp.take(source_embedding, jnp.take(atomic_numbers, src, axis=0), axis=0)
    x_dst = jnp.take(target_embedding, jnp.take(atomic_numbers, dst, axis=0), axis=0)
    x_edge = jnp.concatenate([edge_distance, x_src, x_dst], axis=1)
    # radial MLP predicting m=0 coefficients for each l
    h = jax.nn.relu(x_edge @ W1 + b1)
    m0 = (h @ W2 + b2).reshape(-1, M0_COEFF, SPHERE_CH)
    # rotate m=0-only embedding back to the global frame (inverse Wigner rotation);
    # m != 0 coefficients are zero so only the m=0 columns of wigner_inv contribute
    coeff = jnp.einsum('eij,ejc->eic', wigner_inv, m0)
    # scatter-add messages onto destination nodes
    out = jax.ops.segment_sum(coeff, dst, num_segments=N_NODES) / RESCALE
    return out

if __name__ == "__main__":
    import jax
    _d = setup_inputs()
    print(jax.jit(kernel)(*tuple(_d.values())))

</pallas_src>

<mosaic_0001>
module attributes {stable_mosaic.version = 14 : i64} {
  func.func @_tc_body(%arg0: i32, %arg1: memref<1x400x64xf32, #tpu.memory_space<vmem>>, %arg2: memref<1x400x1xi32, #tpu.memory_space<vmem>>, %arg3: memref<1x400x1xi32, #tpu.memory_space<vmem>>, %arg4: memref<1x400x64xf32, #tpu.memory_space<vmem>>, %arg5: memref<1x1x400xi32, #tpu.memory_space<smem>>, %arg6: memref<96x64xf32, #tpu.memory_space<vmem>>, %arg7: memref<96x64xf32, #tpu.memory_space<vmem>>, %arg8: memref<192x128xf32, #tpu.memory_space<vmem>>, %arg9: memref<1x128xf32, #tpu.memory_space<vmem>>, %arg10: memref<128x256xf32, #tpu.memory_space<vmem>>, %arg11: memref<1x256xf32, #tpu.memory_space<vmem>>, %arg12: memref<64x4096xf32, #tpu.memory_space<vmem>>, %arg13: memref<5000x8x128xf32, #tpu.memory_space<vmem>>, %arg14: memref<5000x8x128xf32, #tpu.memory_space<vmem>>, %arg15: memref<400x8x128xf32, #tpu.memory_space<vmem>>) attributes {dimension_semantics = [#tpu.dimension_semantics<arbitrary>], iteration_bounds = array<i64: 400>, scalar_prefetch = 0 : i64, scratch_operands = 1 : i64, tpu.core_type = #tpu.core_type<tc>, window_params = [{transform_indices = @transform_0, window_bounds = array<i64: 1, 400, 64>}, {transform_indices = @transform_1, window_bounds = array<i64: 1, 400, 1>}, {transform_indices = @transform_2, window_bounds = array<i64: 1, 400, 1>}, {transform_indices = @transform_3, window_bounds = array<i64: 1, 400, 64>}, {transform_indices = @transform_4, window_bounds = array<i64: 1, 1, 400>}, {pipeline_mode = #tpu.pipeline_mode<synchronous>, transform_indices = @transform_5, window_bounds = array<i64: 96, 64>}, {pipeline_mode = #tpu.pipeline_mode<synchronous>, transform_indices = @transform_6, window_bounds = array<i64: 96, 64>}, {pipeline_mode = #tpu.pipeline_mode<synchronous>, transform_indices = @transform_7, window_bounds = array<i64: 192, 128>}, {pipeline_mode = #tpu.pipeline_mode<synchronous>, transform_indices = @transform_8, window_bounds = array<i64: 1, 128>}, {pipeline_mode = #tpu.pipeline_mode<synchronous>, transform_indices = @transform_9, window_bounds = array<i64: 128, 256>}, {pipeline_mode = #tpu.pipeline_mode<synchronous>, transform_indices = @transform_10, window_bounds = array<i64: 1, 256>}, {pipeline_mode = #tpu.pipeline_mode<synchronous>, transform_indices = @transform_11, window_bounds = array<i64: 64, 4096>}, {pipeline_mode = #tpu.pipeline_mode<synchronous>, transform_indices = @transform_12, window_bounds = array<i64: 5000, 8, 128>}, {pipeline_mode = #tpu.pipeline_mode<synchronous>, transform_indices = @transform_13, window_bounds = array<i64: 5000, 8, 128>}]} {
    %eq3A = arith.constant 0 : i32
    %eq3A_0 = arith.cmpi eq, %arg0, %eq3A : i32
    %convert_element_type3A = arith.extui %eq3A_0 : i1 to i32
    %cond3A = arith.constant 0 : i32
    %cond3A_1 = arith.cmpi ne, %convert_element_type3A, %cond3A : i32
    scf.if %cond3A_1 {
      %broadcast_in_dim3A = arith.constant 0.000000e+00 : f32
      %broadcast_in_dim3A_235 = vector.broadcast %broadcast_in_dim3A : f32 to vector<5000x8x128xf32>
      %swap3A_236 = arith.constant 0 : index
      %swap3A_237 = arith.constant 0 : index
      %swap3A_238 = arith.constant 0 : index
      %swap3A_239 = vector.load %arg13[%swap3A_236, %swap3A_237, %swap3A_238] : memref<5000x8x128xf32, #tpu.memory_space<vmem>>, vector<5000x8x128xf32>
      tpu.vector_store %arg13[%swap3A_236, %swap3A_237, %swap3A_238], %broadcast_in_dim3A_235 {strides = array<i32>} : memref<5000x8x128xf32, #tpu.memory_space<vmem>>, vector<5000x8x128xf32>,
      %broadcast_in_dim3A_240 = arith.constant 0.000000e+00 : f32
      %broadcast_in_dim3A_241 = vector.broadcast %broadcast_in_dim3A_240 : f32 to vector<5000x8x128xf32>
      %swap3A_242 = arith.constant 0 : index
      %swap3A_243 = arith.constant 0 : index
      %swap3A_244 = arith.constant 0 : index
      %swap3A_245 = vector.load %arg14[%swap3A_242, %swap3A_243, %swap3A_244] : memref<5000x8x128xf32, #tpu.memory_space<vmem>>, vector<5000x8x128xf32>
      tpu.vector_store %arg14[%swap3A_242, %swap3A_243, %swap3A_244], %broadcast_in_dim3A_241 {strides = array<i32>} : memref<5000x8x128xf32, #tpu.memory_space<vmem>>, vector<5000x8x128xf32>,
    } else {
    }
    %get3A = arith.constant 0 : index
    %get3A_2 = arith.constant 0 : index
    %get3A_3 = arith.constant 0 : index
    %get3A_4 = vector.load %arg1[%get3A, %get3A_2, %get3A_3] : memref<1x400x64xf32, #tpu.memory_space<vmem>>, vector<1x400x64xf32>
    %get3A_5 = vector.shape_cast %get3A_4 : vector<1x400x64xf32> to vector<400x64xf32>
    %get3A_6 = arith.constant 0 : index
    %get3A_7 = arith.constant 0 : index
    %get3A_8 = arith.constant 0 : index
    %get3A_9 = vector.load %arg2[%get3A_6, %get3A_7, %get3A_8] : memref<1x400x1xi32, #tpu.memory_space<vmem>>, vector<1x400x1xi32>
    %get3A_10 = vector.shape_cast %get3A_9 : vector<1x400x1xi32> to vector<400x1xi32>
    %get3A_11 = arith.constant 0 : index
    %get3A_12 = arith.constant 0 : index
    %get3A_13 = arith.constant 0 : index
    %get3A_14 = vector.load %arg3[%get3A_11, %get3A_12, %get3A_13] : memref<1x400x1xi32, #tpu.memory_space<vmem>>, vector<1x400x1xi32>
    %get3A_15 = vector.shape_cast %get3A_14 : vector<1x400x1xi32> to vector<400x1xi32>
    %iota3A = tpu.iota {dimensions = array<i32: 1>} : vector<400x96xi32>
    %eq3A_16 = vector.broadcast %get3A_10 : vector<400x1xi32> to vector<400x96xi32>
    %eq3A_17 = arith.cmpi eq, %eq3A_16, %iota3A : vector<400x96xi32>
    %convert_element_type3A_18 = arith.extui %eq3A_17 : vector<400x96xi1> to vector<400x96xi32>
    %convert_element_type3A_19 = arith.sitofp %convert_element_type3A_18 : vector<400x96xi32> to vector<400x96xf32>
    %eq3A_20 = vector.broadcast %get3A_15 : vector<400x1xi32> to vector<400x96xi32>
    %eq3A_21 = arith.cmpi eq, %eq3A_20, %iota3A : vector<400x96xi32>
    %convert_element_type3A_22 = arith.extui %eq3A_21 : vector<400x96xi1> to vector<400x96xi32>
    %convert_element_type3A_23 = arith.sitofp %convert_element_type3A_22 : vector<400x96xi32> to vector<400x96xf32>
    %get3A_24 = arith.constant 0 : index
    %get3A_25 = arith.constant 0 : index
    %get3A_26 = vector.load %arg6[%get3A_24, %get3A_25] : memref<96x64xf32, #tpu.memory_space<vmem>>, vector<96x64xf32>
    %dot_general3A = arith.constant dense<0.000000e+00> : vector<400x64xf32>
    %dot_general3A_27 = tpu.matmul %convert_element_type3A_19, %get3A_26, %dot_general3A {dimension_numbers = #tpu.dot_dimension_numbers<[1], [0], [0], [1], [0, 0, 1, 1], [], []>, transpose_lhs_hint = false} : vector<400x96xf32>, vector<96x64xf32>, vector<400x64xf32> -> vector<400x64xf32>
    %get3A_28 = arith.constant 0 : index
    %get3A_29 = arith.constant 0 : index
    %get3A_30 = vector.load %arg7[%get3A_28, %get3A_29] : memref<96x64xf32, #tpu.memory_space<vmem>>, vector<96x64xf32>
    %dot_general3A_31 = arith.constant dense<0.000000e+00> : vector<400x64xf32>
    %dot_general3A_32 = tpu.matmul %convert_element_type3A_23, %get3A_30, %dot_general3A_31 {dimension_numbers = #tpu.dot_dimension_numbers<[1], [0], [0], [1], [0, 0, 1, 1], [], []>, transpose_lhs_hint = false} : vector<400x96xf32>, vector<96x64xf32>, vector<400x64xf32> -> vector<400x64xf32>
    %get3A_33 = arith.constant 0 : index
    %get3A_34 = arith.constant 0 : index
    %get3A_35 = vector.load %arg8[%get3A_33, %get3A_34] : memref<192x128xf32, #tpu.memory_space<vmem>>, vector<64x128xf32>
    %dot_general3A_36 = arith.constant dense<0.000000e+00> : vector<400x128xf32>
    %dot_general3A_37 = tpu.matmul %get3A_5, %get3A_35, %dot_general3A_36 {dimension_numbers = #tpu.dot_dimension_numbers<[1], [0], [0], [1], [0, 0, 1, 1], [], []>, transpose_lhs_hint = false} : vector<400x64xf32>, vector<64x128xf32>, vector<400x128xf32> -> vector<400x128xf32>
    %get3A_38 = arith.constant 64 : index
    %get3A_39 = arith.constant 0 : index
    %get3A_40 = vector.load %arg8[%get3A_38, %get3A_39] : memref<192x128xf32, #tpu.memory_space<vmem>>, vector<64x128xf32>
    %dot_general3A_41 = arith.constant dense<0.000000e+00> : vector<400x128xf32>
    %dot_general3A_42 = tpu.matmul %dot_general3A_27, %get3A_40, %dot_general3A_41 {dimension_numbers = #tpu.dot_dimension_numbers<[1], [0], [0], [1], [0, 0, 1, 1], [], []>, transpose_lhs_hint = false} : vector<400x64xf32>, vector<64x128xf32>, vector<400x128xf32> -> vector<400x128xf32>
    %add3A = arith.addf %dot_general3A_37, %dot_general3A_42 : vector<400x128xf32>
    %get3A_43 = arith.constant 128 : index
    %get3A_44 = arith.constant 0 : index
    %get3A_45 = vector.load %arg8[%get3A_43, %get3A_44] : memref<192x128xf32, #tpu.memory_space<vmem>>, vector<64x128xf32>
    %dot_general3A_46 = arith.constant dense<0.000000e+00> : vector<400x128xf32>
    %dot_general3A_47 = tpu.matmul %dot_general3A_32, %get3A_45, %dot_general3A_46 {dimension_numbers = #tpu.dot_dimension_numbers<[1], [0], [0], [1], [0, 0, 1, 1], [], []>, transpose_lhs_hint = false} : vector<400x64xf32>, vector<64x128xf32>, vector<400x128xf32> -> vector<400x128xf32>
    %add3A_48 = arith.addf %add3A, %dot_general3A_47 : vector<400x128xf32>
    %get3A_49 = arith.constant 0 : index
    %get3A_50 = arith.constant 0 : index
    %get3A_51 = vector.load %arg9[%get3A_49, %get3A_50] : memref<1x128xf32, #tpu.memory_space<vmem>>, vector<1x128xf32>
    %add3A_52 = vector.broadcast %get3A_51 : vector<1x128xf32> to vector<400x128xf32>
    %add3A_53 = arith.addf %add3A_48, %add3A_52 : vector<400x128xf32>
    %max3A = arith.constant 0.000000e+00 : f32
    %max3A_54 = vector.broadcast %max3A : f32 to vector<400x128xf32>
    %max3A_55 = arith.maximumf %add3A_53, %max3A_54 : vector<400x128xf32>
    %get3A_56 = arith.constant 0 : index
    %get3A_57 = arith.constant 0 : index
    %get3A_58 = arith.constant 0 : index
    %get3A_59 = vector.load %arg4[%get3A_56, %get3A_57, %get3A_58] : memref<1x400x64xf32, #tpu.memory_space<vmem>>, vector<1x400x64xf32>
    %get3A_60 = vector.shape_cast %get3A_59 : vector<1x400x64xf32> to vector<400x64xf32>
    %get3A_61 = arith.constant 0 : index
    %get3A_62 = arith.constant 0 : index
    %get3A_63 = vector.load %arg10[%get3A_61, %get3A_62] : memref<128x256xf32, #tpu.memory_space<vmem>>, vector<128x256xf32>
    %dot_general3A_64 = arith.constant dense<0.000000e+00> : vector<400x256xf32>
    %dot_general3A_65 = tpu.matmul %max3A_55, %get3A_63, %dot_general3A_64 {dimension_numbers = #tpu.dot_dimension_numbers<[1], [0], [0], [1], [0, 0, 1, 1], [], []>, transpose_lhs_hint = false} : vector<400x128xf32>, vector<128x256xf32>, vector<400x256xf32> -> vector<400x256xf32>
    %get3A_66 = arith.constant 0 : index
    %get3A_67 = arith.constant 0 : index
    %get3A_68 = vector.load %arg11[%get3A_66, %get3A_67] : memref<1x256xf32, #tpu.memory_space<vmem>>, vector<1x256xf32>
    %add3A_69 = vector.broadcast %get3A_68 : vector<1x256xf32> to vector<400x256xf32>
    %add3A_70 = arith.addf %dot_general3A_65, %add3A_69 : vector<400x256xf32>
    %mul3A = arith.constant 6.250000e-02 : f32
    %mul3A_71 = vector.broadcast %mul3A : f32 to vector<400x256xf32>
    %mul3A_72 = arith.mulf %add3A_70, %mul3A_71 : vector<400x256xf32>
    %slice3A = vector.extract_strided_slice %mul3A_72 {offsets = [0, 0], sizes = [400, 64], strides = [1, 1]} : vector<400x256xf32> to vector<400x64xf32>
    %slice3A_73 = vector.extract_strided_slice %mul3A_72 {offsets = [0, 0], sizes = [400, 64], strides = [1, 1]} : vector<400x256xf32> to vector<400x64xf32>
    %slice3A_74 = vector.extract_strided_slice %mul3A_72 {offsets = [0, 64], sizes = [400, 64], strides = [1, 1]} : vector<400x256xf32> to vector<400x64xf32>
    %slice3A_75 = vector.extract_strided_slice %mul3A_72 {offsets = [0, 64], sizes = [400, 64], strides = [1, 1]} : vector<400x256xf32> to vector<400x64xf32>
    %slice3A_76 = vector.extract_strided_slice %mul3A_72 {offsets = [0, 128], sizes = [400, 64], strides = [1, 1]} : vector<400x256xf32> to vector<400x64xf32>
    %slice3A_77 = vector.extract_strided_slice %mul3A_72 {offsets = [0, 128], sizes = [400, 64], strides = [1, 1]} : vector<400x256xf32> to vector<400x64xf32>
    %slice3A_78 = vector.extract_strided_slice %mul3A_72 {offsets = [0, 192], sizes = [400, 64], strides = [1, 1]} : vector<400x256xf32> to vector<400x64xf32>
    %slice3A_79 = vector.extract_strided_slice %mul3A_72 {offsets = [0, 192], sizes = [400, 64], strides = [1, 1]} : vector<400x256xf32> to vector<400x64xf32>
    %concatenate3A = tpu.concatenate %slice3A, %slice3A_73, %slice3A_74, %slice3A_75, %slice3A_76, %slice3A_77, %slice3A_78, %slice3A_79 in 1 : vector<400x64xf32>, vector<400x64xf32>, vector<400x64xf32>, vector<400x64xf32>, vector<400x64xf32>, vector<400x64xf32>, vector<400x64xf32>, vector<400x64xf32> -> vector<400x512xf32>
    %get3A_80 = arith.constant 0 : index
    %get3A_81 = arith.constant 0 : index
    %get3A_82 = vector.load %arg12[%get3A_80, %get3A_81] : memref<64x4096xf32, #tpu.memory_space<vmem>>, vector<64x512xf32>
    %dot_general3A_83 = arith.constant dense<0.000000e+00> : vector<400x512xf32>
    %dot_general3A_84 = tpu.matmul %get3A_60, %get3A_82, %dot_general3A_83 {dimension_numbers = #tpu.dot_dimension_numbers<[1], [0], [0], [1], [0, 0, 1, 1], [], []>, transpose_lhs_hint = false} : vector<400x64xf32>, vector<64x512xf32>, vector<400x512xf32> -> vector<400x512xf32>
    %mul3A_85 = arith.mulf %dot_general3A_84, %concatenate3A : vector<400x512xf32>
    %slice3A_86 = vector.extract_strided_slice %mul3A_85 {offsets = [0, 0], sizes = [400, 128], strides = [1, 1]} : vector<400x512xf32> to vector<400x128xf32>
    %slice3A_87 = vector.extract_strided_slice %mul3A_85 {offsets = [0, 128], sizes = [400, 128], strides = [1, 1]} : vector<400x512xf32> to vector<400x128xf32>
    %add3A_88 = arith.addf %slice3A_86, %slice3A_87 : vector<400x128xf32>
    %slice3A_89 = vector.extract_strided_slice %mul3A_85 {offsets = [0, 256], sizes = [400, 128], strides = [1, 1]} : vector<400x512xf32> to vector<400x128xf32>
    %add3A_90 = arith.addf %add3A_88, %slice3A_89 : vector<400x128xf32>
    %slice3A_91 = vector.extract_strided_slice %mul3A_85 {offsets = [0, 384], sizes = [400, 128], strides = [1, 1]} : vector<400x512xf32> to vector<400x128xf32>
    %add3A_92 = arith.addf %add3A_90, %slice3A_91 : vector<400x128xf32>
    %swap3A = arith.constant 0 : index
    %swap3A_93 = arith.constant 0 : index
    %swap3A_94 = arith.constant 0 : index
    %swap3A_95 = vector.load %arg15[%swap3A, %swap3A_93, %swap3A_94] : memref<400x8x128xf32, #tpu.memory_space<vmem>>, vector<400x1x128xf32>
    %swap3A_96 = vector.shape_cast %swap3A_95 : vector<400x1x128xf32> to vector<400x128xf32>
    %swap3A_97 = vector.shape_cast %add3A_92 : vector<400x128xf32> to vector<400x1x128xf32>
    tpu.vector_store %arg15[%swap3A, %swap3A_93, %swap3A_94], %swap3A_97 {strides = array<i32>} : memref<400x8x128xf32, #tpu.memory_space<vmem>>, vector<400x1x128xf32>,
    %get3A_98 = arith.constant 0 : index
    %get3A_99 = arith.constant 512 : index
    %get3A_100 = vector.load %arg12[%get3A_98, %get3A_99] : memref<64x4096xf32, #tpu.memory_space<vmem>>, vector<64x512xf32>
    %dot_general3A_101 = arith.constant dense<0.000000e+00> : vector<400x512xf32>
    %dot_general3A_102 = tpu.matmul %get3A_60, %get3A_100, %dot_general3A_101 {dimension_numbers = #tpu.dot_dimension_numbers<[1], [0], [0], [1], [0, 0, 1, 1], [], []>, transpose_lhs_hint = false} : vector<400x64xf32>, vector<64x512xf32>, vector<400x512xf32> -> vector<400x512xf32>
    %mul3A_103 = arith.mulf %dot_general3A_102, %concatenate3A : vector<400x512xf32>
    %slice3A_104 = vector.extract_strided_slice %mul3A_103 {offsets = [0, 0], sizes = [400, 128], strides = [1, 1]} : vector<400x512xf32> to vector<400x128xf32>
    %slice3A_105 = vector.extract_strided_slice %mul3A_103 {offsets = [0, 128], sizes = [400, 128], strides = [1, 1]} : vector<400x512xf32> to vector<400x128xf32>
    %add3A_106 = arith.addf %slice3A_104, %slice3A_105 : vector<400x128xf32>
    %slice3A_107 = vector.extract_strided_slice %mul3A_103 {offsets = [0, 256], sizes = [400, 128], strides = [1, 1]} : vector<400x512xf32> to vector<400x128xf32>
    %add3A_108 = arith.addf %add3A_106, %slice3A_107 : vector<400x128xf32>
    %slice3A_109 = vector.extract_strided_slice %mul3A_103 {offsets = [0, 384], sizes = [400, 128], strides = [1, 1]} : vector<400x512xf32> to vector<400x128xf32>
    %add3A_110 = arith.addf %add3A_108, %slice3A_109 : vector<400x128xf32>
    %swap3A_111 = arith.constant 0 : index
    %swap3A_112 = arith.constant 1 : index
    %swap3A_113 = arith.constant 0 : index
    %swap3A_114 = vector.load %arg15[%swap3A_111, %swap3A_112, %swap3A_113] : memref<400x8x128xf32, #tpu.memory_space<vmem>>, vector<400x1x128xf32>
    %swap3A_115 = vector.shape_cast %swap3A_114 : vector<400x1x128xf32> to vector<400x128xf32>
    %swap3A_116 = vector.shape_cast %add3A_110 : vector<400x128xf32> to vector<400x1x128xf32>
    tpu.vector_store %arg15[%swap3A_111, %swap3A_112, %swap3A_113], %swap3A_116 {strides = array<i32>} : memref<400x8x128xf32, #tpu.memory_space<vmem>>, vector<400x1x128xf32>,
    %get3A_117 = arith.constant 0 : index
    %get3A_118 = arith.constant 1024 : index
    %get3A_119 = vector.load %arg12[%get3A_117, %get3A_118] : memref<64x4096xf32, #tpu.memory_space<vmem>>, vector<64x512xf32>
    %dot_general3A_120 = arith.constant dense<0.000000e+00> : vector<400x512xf32>
    %dot_general3A_121 = tpu.matmul %get3A_60, %get3A_119, %dot_general3A_120 {dimension_numbers = #tpu.dot_dimension_numbers<[1], [0], [0], [1], [0, 0, 1, 1], [], []>, transpose_lhs_hint = false} : vector<400x64xf32>, vector<64x512xf32>, vector<400x512xf32> -> vector<400x512xf32>
    %mul3A_122 = arith.mulf %dot_general3A_121, %concatenate3A : vector<400x512xf32>
    %slice3A_123 = vector.extract_strided_slice %mul3A_122 {offsets = [0, 0], sizes = [400, 128], strides = [1, 1]} : vector<400x512xf32> to vector<400x128xf32>
    %slice3A_124 = vector.extract_strided_slice %mul3A_122 {offsets = [0, 128], sizes = [400, 128], strides = [1, 1]} : vector<400x512xf32> to vector<400x128xf32>
    %add3A_125 = arith.addf %slice3A_123, %slice3A_124 : vector<400x128xf32>
    %slice3A_126 = vector.extract_strided_slice %mul3A_122 {offsets = [0, 256], sizes = [400, 128], strides = [1, 1]} : vector<400x512xf32> to vector<400x128xf32>
    %add3A_127 = arith.addf %add3A_125, %slice3A_126 : vector<400x128xf32>
    %slice3A_128 = vector.extract_strided_slice %mul3A_122 {offsets = [0, 384], sizes = [400, 128], strides = [1, 1]} : vector<400x512xf32> to vector<400x128xf32>
    %add3A_129 = arith.addf %add3A_127, %slice3A_128 : vector<400x128xf32>
    %swap3A_130 = arith.constant 0 : index
    %swap3A_131 = arith.constant 2 : index
    %swap3A_132 = arith.constant 0 : index
    %swap3A_133 = vector.load %arg15[%swap3A_130, %swap3A_131, %swap3A_132] : memref<400x8x128xf32, #tpu.memory_space<vmem>>, vector<400x1x128xf32>
    %swap3A_134 = vector.shape_cast %swap3A_133 : vector<400x1x128xf32> to vector<400x128xf32>
    %swap3A_135 = vector.shape_cast %add3A_129 : vector<400x128xf32> to vector<400x1x128xf32>
    tpu.vector_store %arg15[%swap3A_130, %swap3A_131, %swap3A_132], %swap3A_135 {strides = array<i32>} : memref<400x8x128xf32, #tpu.memory_space<vmem>>, vector<400x1x128xf32>,
    %get3A_136 = arith.constant 0 : index
    %get3A_137 = arith.constant 1536 : index
    %get3A_138 = vector.load %arg12[%get3A_136, %get3A_137] : memref<64x4096xf32, #tpu.memory_space<vmem>>, vector<64x512xf32>
    %dot_general3A_139 = arith.constant dense<0.000000e+00> : vector<400x512xf32>
    %dot_general3A_140 = tpu.matmul %get3A_60, %get3A_138, %dot_general3A_139 {dimension_numbers = #tpu.dot_dimension_numbers<[1], [0], [0], [1], [0, 0, 1, 1], [], []>, transpose_lhs_hint = false} : vector<400x64xf32>, vector<64x512xf32>, vector<400x512xf32> -> vector<400x512xf32>
    %mul3A_141 = arith.mulf %dot_general3A_140, %concatenate3A : vector<400x512xf32>
    %slice3A_142 = vector.extract_strided_slice %mul3A_141 {offsets = [0, 0], sizes = [400, 128], strides = [1, 1]} : vector<400x512xf32> to vector<400x128xf32>
    %slice3A_143 = vector.extract_strided_slice %mul3A_141 {offsets = [0, 128], sizes = [400, 128], strides = [1, 1]} : vector<400x512xf32> to vector<400x128xf32>
    %add3A_144 = arith.addf %slice3A_142, %slice3A_143 : vector<400x128xf32>
    %slice3A_145 = vector.extract_strided_slice %mul3A_141 {offsets = [0, 256], sizes = [400, 128], strides = [1, 1]} : vector<400x512xf32> to vector<400x128xf32>
    %add3A_146 = arith.addf %add3A_144, %slice3A_145 : vector<400x128xf32>
    %slice3A_147 = vector.extract_strided_slice %mul3A_141 {offsets = [0, 384], sizes = [400, 128], strides = [1, 1]} : vector<400x512xf32> to vector<400x128xf32>
    %add3A_148 = arith.addf %add3A_146, %slice3A_147 : vector<400x128xf32>
    %swap3A_149 = arith.constant 0 : index
    %swap3A_150 = arith.constant 3 : index
    %swap3A_151 = arith.constant 0 : index
    %swap3A_152 = vector.load %arg15[%swap3A_149, %swap3A_150, %swap3A_151] : memref<400x8x128xf32, #tpu.memory_space<vmem>>, vector<400x1x128xf32>
    %swap3A_153 = vector.shape_cast %swap3A_152 : vector<400x1x128xf32> to vector<400x128xf32>
    %swap3A_154 = vector.shape_cast %add3A_148 : vector<400x128xf32> to vector<400x1x128xf32>
    tpu.vector_store %arg15[%swap3A_149, %swap3A_150, %swap3A_151], %swap3A_154 {strides = array<i32>} : memref<400x8x128xf32, #tpu.memory_space<vmem>>, vector<400x1x128xf32>,
    %get3A_155 = arith.constant 0 : index
    %get3A_156 = arith.constant 2048 : index
    %get3A_157 = vector.load %arg12[%get3A_155, %get3A_156] : memref<64x4096xf32, #tpu.memory_space<vmem>>, vector<64x512xf32>
    %dot_general3A_158 = arith.constant dense<0.000000e+00> : vector<400x512xf32>
    %dot_general3A_159 = tpu.matmul %get3A_60, %get3A_157, %dot_general3A_158 {dimension_numbers = #tpu.dot_dimension_numbers<[1], [0], [0], [1], [0, 0, 1, 1], [], []>, transpose_lhs_hint = false} : vector<400x64xf32>, vector<64x512xf32>, vector<400x512xf32> -> vector<400x512xf32>
    %mul3A_160 = arith.mulf %dot_general3A_159, %concatenate3A : vector<400x512xf32>
    %slice3A_161 = vector.extract_strided_slice %mul3A_160 {offsets = [0, 0], sizes = [400, 128], strides = [1, 1]} : vector<400x512xf32> to vector<400x128xf32>
    %slice3A_162 = vector.extract_strided_slice %mul3A_160 {offsets = [0, 128], sizes = [400, 128], strides = [1, 1]} : vector<400x512xf32> to vector<400x128xf32>
    %add3A_163 = arith.addf %slice3A_161, %slice3A_162 : vector<400x128xf32>
    %slice3A_164 = vector.extract_strided_slice %mul3A_160 {offsets = [0, 256], sizes = [400, 128], strides = [1, 1]} : vector<400x512xf32> to vector<400x128xf32>
    %add3A_165 = arith.addf %add3A_163, %slice3A_164 : vector<400x128xf32>
    %slice3A_166 = vector.extract_strided_slice %mul3A_160 {offsets = [0, 384], sizes = [400, 128], strides = [1, 1]} : vector<400x512xf32> to vector<400x128xf32>
    %add3A_167 = arith.addf %add3A_165, %slice3A_166 : vector<400x128xf32>
    %swap3A_168 = arith.constant 0 : index
    %swap3A_169 = arith.constant 4 : index
    %swap3A_170 = arith.constant 0 : index
    %swap3A_171 = vector.load %arg15[%swap3A_168, %swap3A_169, %swap3A_170] : memref<400x8x128xf32, #tpu.memory_space<vmem>>, vector<400x1x128xf32>
    %swap3A_172 = vector.shape_cast %swap3A_171 : vector<400x1x128xf32> to vector<400x128xf32>
    %swap3A_173 = vector.shape_cast %add3A_167 : vector<400x128xf32> to vector<400x1x128xf32>
    tpu.vector_store %arg15[%swap3A_168, %swap3A_169, %swap3A_170], %swap3A_173 {strides = array<i32>} : memref<400x8x128xf32, #tpu.memory_space<vmem>>, vector<400x1x128xf32>,
    %get3A_174 = arith.constant 0 : index
    %get3A_175 = arith.constant 2560 : index
    %get3A_176 = vector.load %arg12[%get3A_174, %get3A_175] : memref<64x4096xf32, #tpu.memory_space<vmem>>, vector<64x512xf32>
    %dot_general3A_177 = arith.constant dense<0.000000e+00> : vector<400x512xf32>
    %dot_general3A_178 = tpu.matmul %get3A_60, %get3A_176, %dot_general3A_177 {dimension_numbers = #tpu.dot_dimension_numbers<[1], [0], [0], [1], [0, 0, 1, 1], [], []>, transpose_lhs_hint = false} : vector<400x64xf32>, vector<64x512xf32>, vector<400x512xf32> -> vector<400x512xf32>
    %mul3A_179 = arith.mulf %dot_general3A_178, %concatenate3A : vector<400x512xf32>
    %slice3A_180 = vector.extract_strided_slice %mul3A_179 {offsets = [0, 0], sizes = [400, 128], strides = [1, 1]} : vector<400x512xf32> to vector<400x128xf32>
    %slice3A_181 = vector.extract_strided_slice %mul3A_179 {offsets = [0, 128], sizes = [400, 128], strides = [1, 1]} : vector<400x512xf32> to vector<400x128xf32>
    %add3A_182 = arith.addf %slice3A_180, %slice3A_181 : vector<400x128xf32>
    %slice3A_183 = vector.extract_strided_slice %mul3A_179 {offsets = [0, 256], sizes = [400, 128], strides = [1, 1]} : vector<400x512xf32> to vector<400x128xf32>
    %add3A_184 = arith.addf %add3A_182, %slice3A_183 : vector<400x128xf32>
    %slice3A_185 = vector.extract_strided_slice %mul3A_179 {offsets = [0, 384], sizes = [400, 128], strides = [1, 1]} : vector<400x512xf32> to vector<400x128xf32>
    %add3A_186 = arith.addf %add3A_184, %slice3A_185 : vector<400x128xf32>
    %swap3A_187 = arith.constant 0 : index
    %swap3A_188 = arith.constant 5 : index
    %swap3A_189 = arith.constant 0 : index
    %swap3A_190 = vector.load %arg15[%swap3A_187, %swap3A_188, %swap3A_189] : memref<400x8x128xf32, #tpu.memory_space<vmem>>, vector<400x1x128xf32>
    %swap3A_191 = vector.shape_cast %swap3A_190 : vector<400x1x128xf32> to vector<400x128xf32>
    %swap3A_192 = vector.shape_cast %add3A_186 : vector<400x128xf32> to vector<400x1x128xf32>
    tpu.vector_store %arg15[%swap3A_187, %swap3A_188, %swap3A_189], %swap3A_192 {strides = array<i32>} : memref<400x8x128xf32, #tpu.memory_space<vmem>>, vector<400x1x128xf32>,
    %get3A_193 = arith.constant 0 : index
    %get3A_194 = arith.constant 3072 : index
    %get3A_195 = vector.load %arg12[%get3A_193, %get3A_194] : memref<64x4096xf32, #tpu.memory_space<vmem>>, vector<64x512xf32>
    %dot_general3A_196 = arith.constant dense<0.000000e+00> : vector<400x512xf32>
    %dot_general3A_197 = tpu.matmul %get3A_60, %get3A_195, %dot_general3A_196 {dimension_numbers = #tpu.dot_dimension_numbers<[1], [0], [0], [1], [0, 0, 1, 1], [], []>, transpose_lhs_hint = false} : vector<400x64xf32>, vector<64x512xf32>, vector<400x512xf32> -> vector<400x512xf32>
    %mul3A_198 = arith.mulf %dot_general3A_197, %concatenate3A : vector<400x512xf32>
    %slice3A_199 = vector.extract_strided_slice %mul3A_198 {offsets = [0, 0], sizes = [400, 128], strides = [1, 1]} : vector<400x512xf32> to vector<400x128xf32>
    %slice3A_200 = vector.extract_strided_slice %mul3A_198 {offsets = [0, 128], sizes = [400, 128], strides = [1, 1]} : vector<400x512xf32> to vector<400x128xf32>
    %add3A_201 = arith.addf %slice3A_199, %slice3A_200 : vector<400x128xf32>
    %slice3A_202 = vector.extract_strided_slice %mul3A_198 {offsets = [0, 256], sizes = [400, 128], strides = [1, 1]} : vector<400x512xf32> to vector<400x128xf32>
    %add3A_203 = arith.addf %add3A_201, %slice3A_202 : vector<400x128xf32>
    %slice3A_204 = vector.extract_strided_slice %mul3A_198 {offsets = [0, 384], sizes = [400, 128], strides = [1, 1]} : vector<400x512xf32> to vector<400x128xf32>
    %add3A_205 = arith.addf %add3A_203, %slice3A_204 : vector<400x128xf32>
    %swap3A_206 = arith.constant 0 : index
    %swap3A_207 = arith.constant 6 : index
    %swap3A_208 = arith.constant 0 : index
    %swap3A_209 = vector.load %arg15[%swap3A_206, %swap3A_207, %swap3A_208] : memref<400x8x128xf32, #tpu.memory_space<vmem>>, vector<400x1x128xf32>
    %swap3A_210 = vector.shape_cast %swap3A_209 : vector<400x1x128xf32> to vector<400x128xf32>
    %swap3A_211 = vector.shape_cast %add3A_205 : vector<400x128xf32> to vector<400x1x128xf32>
    tpu.vector_store %arg15[%swap3A_206, %swap3A_207, %swap3A_208], %swap3A_211 {strides = array<i32>} : memref<400x8x128xf32, #tpu.memory_space<vmem>>, vector<400x1x128xf32>,
    %get3A_212 = arith.constant 0 : index
    %get3A_213 = arith.constant 3584 : index
    %get3A_214 = vector.load %arg12[%get3A_212, %get3A_213] : memref<64x4096xf32, #tpu.memory_space<vmem>>, vector<64x512xf32>
    %dot_general3A_215 = arith.constant dense<0.000000e+00> : vector<400x512xf32>
    %dot_general3A_216 = tpu.matmul %get3A_60, %get3A_214, %dot_general3A_215 {dimension_numbers = #tpu.dot_dimension_numbers<[1], [0], [0], [1], [0, 0, 1, 1], [], []>, transpose_lhs_hint = false} : vector<400x64xf32>, vector<64x512xf32>, vector<400x512xf32> -> vector<400x512xf32>
    %mul3A_217 = arith.mulf %dot_general3A_216, %concatenate3A : vector<400x512xf32>
    %slice3A_218 = vector.extract_strided_slice %mul3A_217 {offsets = [0, 0], sizes = [400, 128], strides = [1, 1]} : vector<400x512xf32> to vector<400x128xf32>
    %slice3A_219 = vector.extract_strided_slice %mul3A_217 {offsets = [0, 128], sizes = [400, 128], strides = [1, 1]} : vector<400x512xf32> to vector<400x128xf32>
    %add3A_220 = arith.addf %slice3A_218, %slice3A_219 : vector<400x128xf32>
    %slice3A_221 = vector.extract_strided_slice %mul3A_217 {offsets = [0, 256], sizes = [400, 128], strides = [1, 1]} : vector<400x512xf32> to vector<400x128xf32>
    %add3A_222 = arith.addf %add3A_220, %slice3A_221 : vector<400x128xf32>
    %slice3A_223 = vector.extract_strided_slice %mul3A_217 {offsets = [0, 384], sizes = [400, 128], strides = [1, 1]} : vector<400x512xf32> to vector<400x128xf32>
    %add3A_224 = arith.addf %add3A_222, %slice3A_223 : vector<400x128xf32>
    %swap3A_225 = arith.constant 0 : index
    %swap3A_226 = arith.constant 7 : index
    %swap3A_227 = arith.constant 0 : index
    %swap3A_228 = vector.load %arg15[%swap3A_225, %swap3A_226, %swap3A_227] : memref<400x8x128xf32, #tpu.memory_space<vmem>>, vector<400x1x128xf32>
    %swap3A_229 = vector.shape_cast %swap3A_228 : vector<400x1x128xf32> to vector<400x128xf32>
    %swap3A_230 = vector.shape_cast %add3A_224 : vector<400x128xf32> to vector<400x1x128xf32>
    tpu.vector_store %arg15[%swap3A_225, %swap3A_226, %swap3A_227], %swap3A_230 {strides = array<i32>} : memref<400x8x128xf32, #tpu.memory_space<vmem>>, vector<400x1x128xf32>,
    %scan3A = arith.constant 0 : i32
    %scan3A_231 = arith.constant 400 : i32
    %scan3A_232 = arith.addi %scan3A, %scan3A_231 : i32
    %scan3A_233 = arith.constant 8 : i32
    scf.for %scan3A_235 = %scan3A to %scan3A_232 step %scan3A_233  : i32 {
      %get3A_236 = arith.constant 0 : index
      %get3A_237 = arith.constant 0 : index
      %get3A_238 = arith.index_cast %scan3A_235 : i32 to index
      %get3A_239 = memref.load %arg5[%get3A_236, %get3A_237, %get3A_238] : memref<1x1x400xi32, #tpu.memory_space<smem>>
      %get3A_240 = arith.index_cast %scan3A_235 : i32 to index
      %get3A_241 = arith.constant 0 : index
      %get3A_242 = arith.constant 0 : index
      %get3A_243 = vector.load %arg15[%get3A_240, %get3A_241, %get3A_242] : memref<400x8x128xf32, #tpu.memory_space<vmem>>, vector<1x8x128xf32>
      %get3A_244 = vector.shape_cast %get3A_243 : vector<1x8x128xf32> to vector<8x128xf32>
      %lt3A = arith.constant 5000 : i32
      %lt3A_245 = arith.cmpi slt, %get3A_239, %lt3A : i32
      %jit3A = arith.constant 1.000000e+00 : f32
      %jit3A_246 = arith.constant 0.000000e+00 : f32
      %select_n3A = arith.select %lt3A_245, %jit3A, %jit3A_246 : f32
      %min3A = arith.constant 4999 : i32
      %min3A_247 = arith.minsi %get3A_239, %min3A : i32
      %sub3A = arith.constant 5000 : i32
      %sub3A_248 = arith.subi %get3A_239, %sub3A : i32
      %max3A_249 = arith.constant 0 : i32
      %max3A_250 = arith.maxsi %sub3A_248, %max3A_249 : i32
      %get3A_251 = arith.index_cast %min3A_247 : i32 to index
      %get3A_252 = arith.constant 0 : index
      %get3A_253 = arith.constant 0 : index
      %get3A_254 = vector.load %arg13[%get3A_251, %get3A_252, %get3A_253] : memref<5000x8x128xf32, #tpu.memory_space<vmem>>, vector<1x8x128xf32>
      %get3A_255 = vector.shape_cast %get3A_254 : vector<1x8x128xf32> to vector<8x128xf32>
      %mul3A_256 = vector.broadcast %select_n3A : f32 to vector<8x128xf32>
      %mul3A_257 = arith.mulf %get3A_244, %mul3A_256 : vector<8x128xf32>
      %add3A_258 = arith.addf %get3A_255, %mul3A_257 : vector<8x128xf32>
      %swap3A_259 = arith.index_cast %min3A_247 : i32 to index
      %swap3A_260 = arith.constant 0 : index
      %swap3A_261 = arith.constant 0 : index
      %swap3A_262 = vector.load %arg13[%swap3A_259, %swap3A_260, %swap3A_261] : memref<5000x8x128xf32, #tpu.memory_space<vmem>>, vector<1x8x128xf32>
      %swap3A_263 = vector.shape_cast %swap3A_262 : vector<1x8x128xf32> to vector<8x128xf32>
      %swap3A_264 = vector.shape_cast %add3A_258 : vector<8x128xf32> to vector<1x8x128xf32>
      tpu.vector_store %arg13[%swap3A_259, %swap3A_260, %swap3A_261], %swap3A_264 {strides = array<i32>} : memref<5000x8x128xf32, #tpu.memory_space<vmem>>, vector<1x8x128xf32>,
      %get3A_265 = arith.index_cast %max3A_250 : i32 to index
      %get3A_266 = arith.constant 0 : index
      %get3A_267 = arith.constant 0 : index
      %get3A_268 = vector.load %arg14[%get3A_265, %get3A_266, %get3A_267] : memref<5000x8x128xf32, #tpu.memory_space<vmem>>, vector<1x8x128xf32>
      %get3A_269 = vector.shape_cast %get3A_268 : vector<1x8x128xf32> to vector<8x128xf32>
      %sub3A_270 = arith.constant 1.000000e+00 : f32
      %sub3A_271 = arith.subf %sub3A_270, %select_n3A : f32
      %mul3A_272 = vector.broadcast %sub3A_271 : f32 to vector<8x128xf32>
      %mul3A_273 = arith.mulf %get3A_244, %mul3A_272 : vector<8x128xf32>
      %add3A_274 = arith.addf %get3A_269, %mul3A_273 : vector<8x128xf32>
      %swap3A_275 = arith.index_cast %max3A_250 : i32 to index
      %swap3A_276 = arith.constant 0 : index
      %swap3A_277 = arith.constant 0 : index
      %swap3A_278 = vector.load %arg14[%swap3A_275, %swap3A_276, %swap3A_277] : memref<5000x8x128xf32, #tpu.memory_space<vmem>>, vector<1x8x128xf32>
      %swap3A_279 = vector.shape_cast %swap3A_278 : vector<1x8x128xf32> to vector<8x128xf32>
      %swap3A_280 = vector.shape_cast %add3A_274 : vector<8x128xf32> to vector<1x8x128xf32>
      tpu.vector_store %arg14[%swap3A_275, %swap3A_276, %swap3A_277], %swap3A_280 {strides = array<i32>} : memref<5000x8x128xf32, #tpu.memory_space<vmem>>, vector<1x8x128xf32>,
      %scan3A_281 = arith.constant 1 : i32
      %scan3A_282 = arith.addi %scan3A_235, %scan3A_281 : i32
      %get3A_283 = arith.constant 0 : index
      %get3A_284 = arith.constant 0 : index
      %get3A_285 = arith.index_cast %scan3A_282 : i32 to index
      %get3A_286 = memref.load %arg5[%get3A_283, %get3A_284, %get3A_285] : memref<1x1x400xi32, #tpu.memory_space<smem>>
      %get3A_287 = arith.index_cast %scan3A_282 : i32 to index
      %get3A_288 = arith.constant 0 : index
      %get3A_289 = arith.constant 0 : index
      %get3A_290 = vector.load %arg15[%get3A_287, %get3A_288, %get3A_289] : memref<400x8x128xf32, #tpu.memory_space<vmem>>, vector<1x8x128xf32>
      %get3A_291 = vector.shape_cast %get3A_290 : vector<1x8x128xf32> to vector<8x128xf32>
      %lt3A_292 = arith.constant 5000 : i32
      %lt3A_293 = arith.cmpi slt, %get3A_286, %lt3A_292 : i32
      %jit3A_294 = arith.constant 1.000000e+00 : f32
      %jit3A_295 = arith.constant 0.000000e+00 : f32
      %select_n3A_296 = arith.select %lt3A_293, %jit3A_294, %jit3A_295 : f32
      %min3A_297 = arith.constant 4999 : i32
      %min3A_298 = arith.minsi %get3A_286, %min3A_297 : i32
      %sub3A_299 = arith.constant 5000 : i32
      %sub3A_300 = arith.subi %get3A_286, %sub3A_299 : i32
      %max3A_301 = arith.constant 0 : i32
      %max3A_302 = arith.maxsi %sub3A_300, %max3A_301 : i32
      %get3A_303 = arith.index_cast %min3A_298 : i32 to index
      %get3A_304 = arith.constant 0 : index
      %get3A_305 = arith.constant 0 : index
      %get3A_306 = vector.load %arg13[%get3A_303, %get3A_304, %get3A_305] : memref<5000x8x128xf32, #tpu.memory_space<vmem>>, vector<1x8x128xf32>
      %get3A_307 = vector.shape_cast %get3A_306 : vector<1x8x128xf32> to vector<8x128xf32>
      %mul3A_308 = vector.broadcast %select_n3A_296 : f32 to vector<8x128xf32>
      %mul3A_309 = arith.mulf %get3A_291, %mul3A_308 : vector<8x128xf32>
      %add3A_310 = arith.addf %get3A_307, %mul3A_309 : vector<8x128xf32>
      %swap3A_311 = arith.index_cast %min3A_298 : i32 to index
      %swap3A_312 = arith.constant 0 : index
      %swap3A_313 = arith.constant 0 : index
      %swap3A_314 = vector.load %arg13[%swap3A_311, %swap3A_312, %swap3A_313] : memref<5000x8x128xf32, #tpu.memory_space<vmem>>, vector<1x8x128xf32>
      %swap3A_315 = vector.shape_cast %swap3A_314 : vector<1x8x128xf32> to vector<8x128xf32>
      %swap3A_316 = vector.shape_cast %add3A_310 : vector<8x128xf32> to vector<1x8x128xf32>
      tpu.vector_store %arg13[%swap3A_311, %swap3A_312, %swap3A_313], %swap3A_316 {strides = array<i32>} : memref<5000x8x128xf32, #tpu.memory_space<vmem>>, vector<1x8x128xf32>,
      %get3A_317 = arith.index_cast %max3A_302 : i32 to index
      %get3A_318 = arith.constant 0 : index
      %get3A_319 = arith.constant 0 : index
      %get3A_320 = vector.load %arg14[%get3A_317, %get3A_318, %get3A_319] : memref<5000x8x128xf32, #tpu.memory_space<vmem>>, vector<1x8x128xf32>
      %get3A_321 = vector.shape_cast %get3A_320 : vector<1x8x128xf32> to vector<8x128xf32>
      %sub3A_322 = arith.constant 1.000000e+00 : f32
      %sub3A_323 = arith.subf %sub3A_322, %select_n3A_296 : f32
      %mul3A_324 = vector.broadcast %sub3A_323 : f32 to vector<8x128xf32>
      %mul3A_325 = arith.mulf %get3A_291, %mul3A_324 : vector<8x128xf32>
      %add3A_326 = arith.addf %get3A_321, %mul3A_325 : vector<8x128xf32>
      %swap3A_327 = arith.index_cast %max3A_302 : i32 to index
      %swap3A_328 = arith.constant 0 : index
      %swap3A_329 = arith.constant 0 : index
      %swap3A_330 = vector.load %arg14[%swap3A_327, %swap3A_328, %swap3A_329] : memref<5000x8x128xf32, #tpu.memory_space<vmem>>, vector<1x8x128xf32>
      %swap3A_331 = vector.shape_cast %swap3A_330 : vector<1x8x128xf32> to vector<8x128xf32>
      %swap3A_332 = vector.shape_cast %add3A_326 : vector<8x128xf32> to vector<1x8x128xf32>
      tpu.vector_store %arg14[%swap3A_327, %swap3A_328, %swap3A_329], %swap3A_332 {strides = array<i32>} : memref<5000x8x128xf32, #tpu.memory_space<vmem>>, vector<1x8x128xf32>,
      %scan3A_333 = arith.constant 2 : i32
      %scan3A_334 = arith.addi %scan3A_235, %scan3A_333 : i32
      %get3A_335 = arith.constant 0 : index
      %get3A_336 = arith.constant 0 : index
      %get3A_337 = arith.index_cast %scan3A_334 : i32 to index
      %get3A_338 = memref.load %arg5[%get3A_335, %get3A_336, %get3A_337] : memref<1x1x400xi32, #tpu.memory_space<smem>>
      %get3A_339 = arith.index_cast %scan3A_334 : i32 to index
      %get3A_340 = arith.constant 0 : index
      %get3A_341 = arith.constant 0 : index
      %get3A_342 = vector.load %arg15[%get3A_339, %get3A_340, %get3A_341] : memref<400x8x128xf32, #tpu.memory_space<vmem>>, vector<1x8x128xf32>
      %get3A_343 = vector.shape_cast %get3A_342 : vector<1x8x128xf32> to vector<8x128xf32>
      %lt3A_344 = arith.constant 5000 : i32
      %lt3A_345 = arith.cmpi slt, %get3A_338, %lt3A_344 : i32
      %jit3A_346 = arith.constant 1.000000e+00 : f32
      %jit3A_347 = arith.constant 0.000000e+00 : f32
      %select_n3A_348 = arith.select %lt3A_345, %jit3A_346, %jit3A_347 : f32
      %min3A_349 = arith.constant 4999 : i32
      %min3A_350 = arith.minsi %get3A_338, %min3A_349 : i32
      %sub3A_351 = arith.constant 5000 : i32
      %sub3A_352 = arith.subi %get3A_338, %sub3A_351 : i32
      %max3A_353 = arith.constant 0 : i32
      %max3A_354 = arith.maxsi %sub3A_352, %max3A_353 : i32
      %get3A_355 = arith.index_cast %min3A_350 : i32 to index
      %get3A_356 = arith.constant 0 : index
      %get3A_357 = arith.constant 0 : index
      %get3A_358 = vector.load %arg13[%get3A_355, %get3A_356, %get3A_357] : memref<5000x8x128xf32, #tpu.memory_space<vmem>>, vector<1x8x128xf32>
      %get3A_359 = vector.shape_cast %get3A_358 : vector<1x8x128xf32> to vector<8x128xf32>
      %mul3A_360 = vector.broadcast %select_n3A_348 : f32 to vector<8x128xf32>
      %mul3A_361 = arith.mulf %get3A_343, %mul3A_360 : vector<8x128xf32>
      %add3A_362 = arith.addf %get3A_359, %mul3A_361 : vector<8x128xf32>
      %swap3A_363 = arith.index_cast %min3A_350 : i32 to index
      %swap3A_364 = arith.constant 0 : index
      %swap3A_365 = arith.constant 0 : index
      %swap3A_366 = vector.load %arg13[%swap3A_363, %swap3A_364, %swap3A_365] : memref<5000x8x128xf32, #tpu.memory_space<vmem>>, vector<1x8x128xf32>
      %swap3A_367 = vector.shape_cast %swap3A_366 : vector<1x8x128xf32> to vector<8x128xf32>
      %swap3A_368 = vector.shape_cast %add3A_362 : vector<8x128xf32> to vector<1x8x128xf32>
      tpu.vector_store %arg13[%swap3A_363, %swap3A_364, %swap3A_365], %swap3A_368 {strides = array<i32>} : memref<5000x8x128xf32, #tpu.memory_space<vmem>>, vector<1x8x128xf32>,
      %get3A_369 = arith.index_cast %max3A_354 : i32 to index
      %get3A_370 = arith.constant 0 : index
      %get3A_371 = arith.constant 0 : index
      %get3A_372 = vector.load %arg14[%get3A_369, %get3A_370, %get3A_371] : memref<5000x8x128xf32, #tpu.memory_space<vmem>>, vector<1x8x128xf32>
      %get3A_373 = vector.shape_cast %get3A_372 : vector<1x8x128xf32> to vector<8x128xf32>
      %sub3A_374 = arith.constant 1.000000e+00 : f32
      %sub3A_375 = arith.subf %sub3A_374, %select_n3A_348 : f32
      %mul3A_376 = vector.broadcast %sub3A_375 : f32 to vector<8x128xf32>
      %mul3A_377 = arith.mulf %get3A_343, %mul3A_376 : vector<8x128xf32>
      %add3A_378 = arith.addf %get3A_373, %mul3A_377 : vector<8x128xf32>
      %swap3A_379 = arith.index_cast %max3A_354 : i32 to index
      %swap3A_380 = arith.constant 0 : index
      %swap3A_381 = arith.constant 0 : index
      %swap3A_382 = vector.load %arg14[%swap3A_379, %swap3A_380, %swap3A_381] : memref<5000x8x128xf32, #tpu.memory_space<vmem>>, vector<1x8x128xf32>
      %swap3A_383 = vector.shape_cast %swap3A_382 : vector<1x8x128xf32> to vector<8x128xf32>
      %swap3A_384 = vector.shape_cast %add3A_378 : vector<8x128xf32> to vector<1x8x128xf32>
      tpu.vector_store %arg14[%swap3A_379, %swap3A_380, %swap3A_381], %swap3A_384 {strides = array<i32>} : memref<5000x8x128xf32, #tpu.memory_space<vmem>>, vector<1x8x128xf32>,
      %scan3A_385 = arith.constant 3 : i32
      %scan3A_386 = arith.addi %scan3A_235, %scan3A_385 : i32
      %get3A_387 = arith.constant 0 : index
      %get3A_388 = arith.constant 0 : index
      %get3A_389 = arith.index_cast %scan3A_386 : i32 to index
      %get3A_390 = memref.load %arg5[%get3A_387, %get3A_388, %get3A_389] : memref<1x1x400xi32, #tpu.memory_space<smem>>
      %get3A_391 = arith.index_cast %scan3A_386 : i32 to index
      %get3A_392 = arith.constant 0 : index
      %get3A_393 = arith.constant 0 : index
      %get3A_394 = vector.load %arg15[%get3A_391, %get3A_392, %get3A_393] : memref<400x8x128xf32, #tpu.memory_space<vmem>>, vector<1x8x128xf32>
      %get3A_395 = vector.shape_cast %get3A_394 : vector<1x8x128xf32> to vector<8x128xf32>
      %lt3A_396 = arith.constant 5000 : i32
      %lt3A_397 = arith.cmpi slt, %get3A_390, %lt3A_396 : i32
      %jit3A_398 = arith.constant 1.000000e+00 : f32
      %jit3A_399 = arith.constant 0.000000e+00 : f32
      %select_n3A_400 = arith.select %lt3A_397, %jit3A_398, %jit3A_399 : f32
      %min3A_401 = arith.constant 4999 : i32
      %min3A_402 = arith.minsi %get3A_390, %min3A_401 : i32
      %sub3A_403 = arith.constant 5000 : i32
      %sub3A_404 = arith.subi %get3A_390, %sub3A_403 : i32
      %max3A_405 = arith.constant 0 : i32
      %max3A_406 = arith.maxsi %sub3A_404, %max3A_405 : i32
      %get3A_407 = arith.index_cast %min3A_402 : i32 to index
      %get3A_408 = arith.constant 0 : index
      %get3A_409 = arith.constant 0 : index
      %get3A_410 = vector.load %arg13[%get3A_407, %get3A_408, %get3A_409] : memref<5000x8x128xf32, #tpu.memory_space<vmem>>, vector<1x8x128xf32>
      %get3A_411 = vector.shape_cast %get3A_410 : vector<1x8x128xf32> to vector<8x128xf32>
      %mul3A_412 = vector.broadcast %select_n3A_400 : f32 to vector<8x128xf32>
      %mul3A_413 = arith.mulf %get3A_395, %mul3A_412 : vector<8x128xf32>
      %add3A_414 = arith.addf %get3A_411, %mul3A_413 : vector<8x128xf32>
      %swap3A_415 = arith.index_cast %min3A_402 : i32 to index
      %swap3A_416 = arith.constant 0 : index
      %swap3A_417 = arith.constant 0 : index
      %swap3A_418 = vector.load %arg13[%swap3A_415, %swap3A_416, %swap3A_417] : memref<5000x8x128xf32, #tpu.memory_space<vmem>>, vector<1x8x128xf32>
      %swap3A_419 = vector.shape_cast %swap3A_418 : vector<1x8x128xf32> to vector<8x128xf32>
      %swap3A_420 = vector.shape_cast %add3A_414 : vector<8x128xf32> to vector<1x8x128xf32>
      tpu.vector_store %arg13[%swap3A_415, %swap3A_416, %swap3A_417], %swap3A_420 {strides = array<i32>} : memref<5000x8x128xf32, #tpu.memory_space<vmem>>, vector<1x8x128xf32>,
      %get3A_421 = arith.index_cast %max3A_406 : i32 to index
      %get3A_422 = arith.constant 0 : index
      %get3A_423 = arith.constant 0 : index
      %get3A_424 = vector.load %arg14[%get3A_421, %get3A_422, %get3A_423] : memref<5000x8x128xf32, #tpu.memory_space<vmem>>, vector<1x8x128xf32>
      %get3A_425 = vector.shape_cast %get3A_424 : vector<1x8x128xf32> to vector<8x128xf32>
      %sub3A_426 = arith.constant 1.000000e+00 : f32
      %sub3A_427 = arith.subf %sub3A_426, %select_n3A_400 : f32
      %mul3A_428 = vector.broadcast %sub3A_427 : f32 to vector<8x128xf32>
      %mul3A_429 = arith.mulf %get3A_395, %mul3A_428 : vector<8x128xf32>
      %add3A_430 = arith.addf %get3A_425, %mul3A_429 : vector<8x128xf32>
      %swap3A_431 = arith.index_cast %max3A_406 : i32 to index
      %swap3A_432 = arith.constant 0 : index
      %swap3A_433 = arith.constant 0 : index
      %swap3A_434 = vector.load %arg14[%swap3A_431, %swap3A_432, %swap3A_433] : memref<5000x8x128xf32, #tpu.memory_space<vmem>>, vector<1x8x128xf32>
      %swap3A_435 = vector.shape_cast %swap3A_434 : vector<1x8x128xf32> to vector<8x128xf32>
      %swap3A_436 = vector.shape_cast %add3A_430 : vector<8x128xf32> to vector<1x8x128xf32>
      tpu.vector_store %arg14[%swap3A_431, %swap3A_432, %swap3A_433], %swap3A_436 {strides = array<i32>} : memref<5000x8x128xf32, #tpu.memory_space<vmem>>, vector<1x8x128xf32>,
      %scan3A_437 = arith.constant 4 : i32
      %scan3A_438 = arith.addi %scan3A_235, %scan3A_437 : i32
      %get3A_439 = arith.constant 0 : index
      %get3A_440 = arith.constant 0 : index
      %get3A_441 = arith.index_cast %scan3A_438 : i32 to index
      %get3A_442 = memref.load %arg5[%get3A_439, %get3A_440, %get3A_441] : memref<1x1x400xi32, #tpu.memory_space<smem>>
      %get3A_443 = arith.index_cast %scan3A_438 : i32 to index
      %get3A_444 = arith.constant 0 : index
      %get3A_445 = arith.constant 0 : index
      %get3A_446 = vector.load %arg15[%get3A_443, %get3A_444, %get3A_445] : memref<400x8x128xf32, #tpu.memory_space<vmem>>, vector<1x8x128xf32>
      %get3A_447 = vector.shape_cast %get3A_446 : vector<1x8x128xf32> to vector<8x128xf32>
      %lt3A_448 = arith.constant 5000 : i32
      %lt3A_449 = arith.cmpi slt, %get3A_442, %lt3A_448 : i32
      %jit3A_450 = arith.constant 1.000000e+00 : f32
      %jit3A_451 = arith.constant 0.000000e+00 : f32
      %select_n3A_452 = arith.select %lt3A_449, %jit3A_450, %jit3A_451 : f32
      %min3A_453 = arith.constant 4999 : i32
      %min3A_454 = arith.minsi %get3A_442, %min3A_453 : i32
      %sub3A_455 = arith.constant 5000 : i32
      %sub3A_456 = arith.subi %get3A_442, %sub3A_455 : i32
      %max3A_457 = arith.constant 0 : i32
      %max3A_458 = arith.maxsi %sub3A_456, %max3A_457 : i32
      %get3A_459 = arith.index_cast %min3A_454 : i32 to index
      %get3A_460 = arith.constant 0 : index
      %get3A_461 = arith.constant 0 : index
      %get3A_462 = vector.load %arg13[%get3A_459, %get3A_460, %get3A_461] : memref<5000x8x128xf32, #tpu.memory_space<vmem>>, vector<1x8x128xf32>
      %get3A_463 = vector.shape_cast %get3A_462 : vector<1x8x128xf32> to vector<8x128xf32>
      %mul3A_464 = vector.broadcast %select_n3A_452 : f32 to vector<8x128xf32>
      %mul3A_465 = arith.mulf %get3A_447, %mul3A_464 : vector<8x128xf32>
      %add3A_466 = arith.addf %get3A_463, %mul3A_465 : vector<8x128xf32>
      %swap3A_467 = arith.index_cast %min3A_454 : i32 to index
      %swap3A_468 = arith.constant 0 : index
      %swap3A_469 = arith.constant 0 : index
      %swap3A_470 = vector.load %arg13[%swap3A_467, %swap3A_468, %swap3A_469] : memref<5000x8x128xf32, #tpu.memory_space<vmem>>, vector<1x8x128xf32>
      %swap3A_471 = vector.shape_cast %swap3A_470 : vector<1x8x128xf32> to vector<8x128xf32>
      %swap3A_472 = vector.shape_cast %add3A_466 : vector<8x128xf32> to vector<1x8x128xf32>
      tpu.vector_store %arg13[%swap3A_467, %swap3A_468, %swap3A_469], %swap3A_472 {strides = array<i32>} : memref<5000x8x128xf32, #tpu.memory_space<vmem>>, vector<1x8x128xf32>,
      %get3A_473 = arith.index_cast %max3A_458 : i32 to index
      %get3A_474 = arith.constant 0 : index
      %get3A_475 = arith.constant 0 : index
      %get3A_476 = vector.load %arg14[%get3A_473, %get3A_474, %get3A_475] : memref<5000x8x128xf32, #tpu.memory_space<vmem>>, vector<1x8x128xf32>
      %get3A_477 = vector.shape_cast %get3A_476 : vector<1x8x128xf32> to vector<8x128xf32>
      %sub3A_478 = arith.constant 1.000000e+00 : f32
      %sub3A_479 = arith.subf %sub3A_478, %select_n3A_452 : f32
      %mul3A_480 = vector.broadcast %sub3A_479 : f32 to vector<8x128xf32>
      %mul3A_481 = arith.mulf %get3A_447, %mul3A_480 : vector<8x128xf32>
      %add3A_482 = arith.addf %get3A_477, %mul3A_481 : vector<8x128xf32>
      %swap3A_483 = arith.index_cast %max3A_458 : i32 to index
      %swap3A_484 = arith.constant 0 : index
      %swap3A_485 = arith.constant 0 : index
      %swap3A_486 = vector.load %arg14[%swap3A_483, %swap3A_484, %swap3A_485] : memref<5000x8x128xf32, #tpu.memory_space<vmem>>, vector<1x8x128xf32>
      %swap3A_487 = vector.shape_cast %swap3A_486 : vector<1x8x128xf32> to vector<8x128xf32>
      %swap3A_488 = vector.shape_cast %add3A_482 : vector<8x128xf32> to vector<1x8x128xf32>
      tpu.vector_store %arg14[%swap3A_483, %swap3A_484, %swap3A_485], %swap3A_488 {strides = array<i32>} : memref<5000x8x128xf32, #tpu.memory_space<vmem>>, vector<1x8x128xf32>,
      %scan3A_489 = arith.constant 5 : i32
      %scan3A_490 = arith.addi %scan3A_235, %scan3A_489 : i32
      %get3A_491 = arith.constant 0 : index
      %get3A_492 = arith.constant 0 : index
      %get3A_493 = arith.index_cast %scan3A_490 : i32 to index
      %get3A_494 = memref.load %arg5[%get3A_491, %get3A_492, %get3A_493] : memref<1x1x400xi32, #tpu.memory_space<smem>>
      %get3A_495 = arith.index_cast %scan3A_490 : i32 to index
      %get3A_496 = arith.constant 0 : index
      %get3A_497 = arith.constant 0 : index
      %get3A_498 = vector.load %arg15[%get3A_495, %get3A_496, %get3A_497] : memref<400x8x128xf32, #tpu.memory_space<vmem>>, vector<1x8x128xf32>
      %get3A_499 = vector.shape_cast %get3A_498 : vector<1x8x128xf32> to vector<8x128xf32>
      %lt3A_500 = arith.constant 5000 : i32
      %lt3A_501 = arith.cmpi slt, %get3A_494, %lt3A_500 : i32
      %jit3A_502 = arith.constant 1.000000e+00 : f32
      %jit3A_503 = arith.constant 0.000000e+00 : f32
      %select_n3A_504 = arith.select %lt3A_501, %jit3A_502, %jit3A_503 : f32
      %min3A_505 = arith.constant 4999 : i32
      %min3A_506 = arith.minsi %get3A_494, %min3A_505 : i32
      %sub3A_507 = arith.constant 5000 : i32
      %sub3A_508 = arith.subi %get3A_494, %sub3A_507 : i32
      %max3A_509 = arith.constant 0 : i32
      %max3A_510 = arith.maxsi %sub3A_508, %max3A_509 : i32
      %get3A_511 = arith.index_cast %min3A_506 : i32 to index
      %get3A_512 = arith.constant 0 : index
      %get3A_513 = arith.constant 0 : index
      %get3A_514 = vector.load %arg13[%get3A_511, %get3A_512, %get3A_513] : memref<5000x8x128xf32, #tpu.memory_space<vmem>>, vector<1x8x128xf32>
      %get3A_515 = vector.shape_cast %get3A_514 : vector<1x8x128xf32> to vector<8x128xf32>
      %mul3A_516 = vector.broadcast %select_n3A_504 : f32 to vector<8x128xf32>
      %mul3A_517 = arith.mulf %get3A_499, %mul3A_516 : vector<8x128xf32>
      %add3A_518 = arith.addf %get3A_515, %mul3A_517 : vector<8x128xf32>
      %swap3A_519 = arith.index_cast %min3A_506 : i32 to index
      %swap3A_520 = arith.constant 0 : index
      %swap3A_521 = arith.constant 0 : index
      %swap3A_522 = vector.load %arg13[%swap3A_519, %swap3A_520, %swap3A_521] : memref<5000x8x128xf32, #tpu.memory_space<vmem>>, vector<1x8x128xf32>
      %swap3A_523 = vector.shape_cast %swap3A_522 : vector<1x8x128xf32> to vector<8x128xf32>
      %swap3A_524 = vector.shape_cast %add3A_518 : vector<8x128xf32> to vector<1x8x128xf32>
      tpu.vector_store %arg13[%swap3A_519, %swap3A_520, %swap3A_521], %swap3A_524 {strides = array<i32>} : memref<5000x8x128xf32, #tpu.memory_space<vmem>>, vector<1x8x128xf32>,
      %get3A_525 = arith.index_cast %max3A_510 : i32 to index
      %get3A_526 = arith.constant 0 : index
      %get3A_527 = arith.constant 0 : index
      %get3A_528 = vector.load %arg14[%get3A_525, %get3A_526, %get3A_527] : memref<5000x8x128xf32, #tpu.memory_space<vmem>>, vector<1x8x128xf32>
      %get3A_529 = vector.shape_cast %get3A_528 : vector<1x8x128xf32> to vector<8x128xf32>
      %sub3A_530 = arith.constant 1.000000e+00 : f32
      %sub3A_531 = arith.subf %sub3A_530, %select_n3A_504 : f32
      %mul3A_532 = vector.broadcast %sub3A_531 : f32 to vector<8x128xf32>
      %mul3A_533 = arith.mulf %get3A_499, %mul3A_532 : vector<8x128xf32>
      %add3A_534 = arith.addf %get3A_529, %mul3A_533 : vector<8x128xf32>
      %swap3A_535 = arith.index_cast %max3A_510 : i32 to index
      %swap3A_536 = arith.constant 0 : index
      %swap3A_537 = arith.constant 0 : index
      %swap3A_538 = vector.load %arg14[%swap3A_535, %swap3A_536, %swap3A_537] : memref<5000x8x128xf32, #tpu.memory_space<vmem>>, vector<1x8x128xf32>
      %swap3A_539 = vector.shape_cast %swap3A_538 : vector<1x8x128xf32> to vector<8x128xf32>
      %swap3A_540 = vector.shape_cast %add3A_534 : vector<8x128xf32> to vector<1x8x128xf32>
      tpu.vector_store %arg14[%swap3A_535, %swap3A_536, %swap3A_537], %swap3A_540 {strides = array<i32>} : memref<5000x8x128xf32, #tpu.memory_space<vmem>>, vector<1x8x128xf32>,
      %scan3A_541 = arith.constant 6 : i32
      %scan3A_542 = arith.addi %scan3A_235, %scan3A_541 : i32
      %get3A_543 = arith.constant 0 : index
      %get3A_544 = arith.constant 0 : index
      %get3A_545 = arith.index_cast %scan3A_542 : i32 to index
      %get3A_546 = memref.load %arg5[%get3A_543, %get3A_544, %get3A_545] : memref<1x1x400xi32, #tpu.memory_space<smem>>
      %get3A_547 = arith.index_cast %scan3A_542 : i32 to index
      %get3A_548 = arith.constant 0 : index
      %get3A_549 = arith.constant 0 : index
      %get3A_550 = vector.load %arg15[%get3A_547, %get3A_548, %get3A_549] : memref<400x8x128xf32, #tpu.memory_space<vmem>>, vector<1x8x128xf32>
      %get3A_551 = vector.shape_cast %get3A_550 : vector<1x8x128xf32> to vector<8x128xf32>
      %lt3A_552 = arith.constant 5000 : i32
      %lt3A_553 = arith.cmpi slt, %get3A_546, %lt3A_552 : i32
      %jit3A_554 = arith.constant 1.000000e+00 : f32
      %jit3A_555 = arith.constant 0.000000e+00 : f32
      %select_n3A_556 = arith.select %lt3A_553, %jit3A_554, %jit3A_555 : f32
      %min3A_557 = arith.constant 4999 : i32
      %min3A_558 = arith.minsi %get3A_546, %min3A_557 : i32
      %sub3A_559 = arith.constant 5000 : i32
      %sub3A_560 = arith.subi %get3A_546, %sub3A_559 : i32
      %max3A_561 = arith.constant 0 : i32
      %max3A_562 = arith.maxsi %sub3A_560, %max3A_561 : i32
      %get3A_563 = arith.index_cast %min3A_558 : i32 to index
      %get3A_564 = arith.constant 0 : index
      %get3A_565 = arith.constant 0 : index
      %get3A_566 = vector.load %arg13[%get3A_563, %get3A_564, %get3A_565] : memref<5000x8x128xf32, #tpu.memory_space<vmem>>, vector<1x8x128xf32>
      %get3A_567 = vector.shape_cast %get3A_566 : vector<1x8x128xf32> to vector<8x128xf32>
      %mul3A_568 = vector.broadcast %select_n3A_556 : f32 to vector<8x128xf32>
      %mul3A_569 = arith.mulf %get3A_551, %mul3A_568 : vector<8x128xf32>
      %add3A_570 = arith.addf %get3A_567, %mul3A_569 : vector<8x128xf32>
      %swap3A_571 = arith.index_cast %min3A_558 : i32 to index
      %swap3A_572 = arith.constant 0 : index
      %swap3A_573 = arith.constant 0 : index
      %swap3A_574 = vector.load %arg13[%swap3A_571, %swap3A_572, %swap3A_573] : memref<5000x8x128xf32, #tpu.memory_space<vmem>>, vector<1x8x128xf32>
      %swap3A_575 = vector.shape_cast %swap3A_574 : vector<1x8x128xf32> to vector<8x128xf32>
      %swap3A_576 = vector.shape_cast %add3A_570 : vector<8x128xf32> to vector<1x8x128xf32>
      tpu.vector_store %arg13[%swap3A_571, %swap3A_572, %swap3A_573], %swap3A_576 {strides = array<i32>} : memref<5000x8x128xf32, #tpu.memory_space<vmem>>, vector<1x8x128xf32>,
      %get3A_577 = arith.index_cast %max3A_562 : i32 to index
      %get3A_578 = arith.constant 0 : index
      %get3A_579 = arith.constant 0 : index
      %get3A_580 = vector.load %arg14[%get3A_577, %get3A_578, %get3A_579] : memref<5000x8x128xf32, #tpu.memory_space<vmem>>, vector<1x8x128xf32>
      %get3A_581 = vector.shape_cast %get3A_580 : vector<1x8x128xf32> to vector<8x128xf32>
      %sub3A_582 = arith.constant 1.000000e+00 : f32
      %sub3A_583 = arith.subf %sub3A_582, %select_n3A_556 : f32
      %mul3A_584 = vector.broadcast %sub3A_583 : f32 to vector<8x128xf32>
      %mul3A_585 = arith.mulf %get3A_551, %mul3A_584 : vector<8x128xf32>
      %add3A_586 = arith.addf %get3A_581, %mul3A_585 : vector<8x128xf32>
      %swap3A_587 = arith.index_cast %max3A_562 : i32 to index
      %swap3A_588 = arith.constant 0 : index
      %swap3A_589 = arith.constant 0 : index
      %swap3A_590 = vector.load %arg14[%swap3A_587, %swap3A_588, %swap3A_589] : memref<5000x8x128xf32, #tpu.memory_space<vmem>>, vector<1x8x128xf32>
      %swap3A_591 = vector.shape_cast %swap3A_590 : vector<1x8x128xf32> to vector<8x128xf32>
      %swap3A_592 = vector.shape_cast %add3A_586 : vector<8x128xf32> to vector<1x8x128xf32>
      tpu.vector_store %arg14[%swap3A_587, %swap3A_588, %swap3A_589], %swap3A_592 {strides = array<i32>} : memref<5000x8x128xf32, #tpu.memory_space<vmem>>, vector<1x8x128xf32>,
      %scan3A_593 = arith.constant 7 : i32
      %scan3A_594 = arith.addi %scan3A_235, %scan3A_593 : i32
      %get3A_595 = arith.constant 0 : index
      %get3A_596 = arith.constant 0 : index
      %get3A_597 = arith.index_cast %scan3A_594 : i32 to index
      %get3A_598 = memref.load %arg5[%get3A_595, %get3A_596, %get3A_597] : memref<1x1x400xi32, #tpu.memory_space<smem>>
      %get3A_599 = arith.index_cast %scan3A_594 : i32 to index
      %get3A_600 = arith.constant 0 : index
      %get3A_601 = arith.constant 0 : index
      %get3A_602 = vector.load %arg15[%get3A_599, %get3A_600, %get3A_601] : memref<400x8x128xf32, #tpu.memory_space<vmem>>, vector<1x8x128xf32>
      %get3A_603 = vector.shape_cast %get3A_602 : vector<1x8x128xf32> to vector<8x128xf32>
      %lt3A_604 = arith.constant 5000 : i32
      %lt3A_605 = arith.cmpi slt, %get3A_598, %lt3A_604 : i32
      %jit3A_606 = arith.constant 1.000000e+00 : f32
      %jit3A_607 = arith.constant 0.000000e+00 : f32
      %select_n3A_608 = arith.select %lt3A_605, %jit3A_606, %jit3A_607 : f32
      %min3A_609 = arith.constant 4999 : i32
      %min3A_610 = arith.minsi %get3A_598, %min3A_609 : i32
      %sub3A_611 = arith.constant 5000 : i32
      %sub3A_612 = arith.subi %get3A_598, %sub3A_611 : i32
      %max3A_613 = arith.constant 0 : i32
      %max3A_614 = arith.maxsi %sub3A_612, %max3A_613 : i32
      %get3A_615 = arith.index_cast %min3A_610 : i32 to index
      %get3A_616 = arith.constant 0 : index
      %get3A_617 = arith.constant 0 : index
      %get3A_618 = vector.load %arg13[%get3A_615, %get3A_616, %get3A_617] : memref<5000x8x128xf32, #tpu.memory_space<vmem>>, vector<1x8x128xf32>
      %get3A_619 = vector.shape_cast %get3A_618 : vector<1x8x128xf32> to vector<8x128xf32>
      %mul3A_620 = vector.broadcast %select_n3A_608 : f32 to vector<8x128xf32>
      %mul3A_621 = arith.mulf %get3A_603, %mul3A_620 : vector<8x128xf32>
      %add3A_622 = arith.addf %get3A_619, %mul3A_621 : vector<8x128xf32>
      %swap3A_623 = arith.index_cast %min3A_610 : i32 to index
      %swap3A_624 = arith.constant 0 : index
      %swap3A_625 = arith.constant 0 : index
      %swap3A_626 = vector.load %arg13[%swap3A_623, %swap3A_624, %swap3A_625] : memref<5000x8x128xf32, #tpu.memory_space<vmem>>, vector<1x8x128xf32>
      %swap3A_627 = vector.shape_cast %swap3A_626 : vector<1x8x128xf32> to vector<8x128xf32>
      %swap3A_628 = vector.shape_cast %add3A_622 : vector<8x128xf32> to vector<1x8x128xf32>
      tpu.vector_store %arg13[%swap3A_623, %swap3A_624, %swap3A_625], %swap3A_628 {strides = array<i32>} : memref<5000x8x128xf32, #tpu.memory_space<vmem>>, vector<1x8x128xf32>,
      %get3A_629 = arith.index_cast %max3A_614 : i32 to index
      %get3A_630 = arith.constant 0 : index
      %get3A_631 = arith.constant 0 : index
      %get3A_632 = vector.load %arg14[%get3A_629, %get3A_630, %get3A_631] : memref<5000x8x128xf32, #tpu.memory_space<vmem>>, vector<1x8x128xf32>
      %get3A_633 = vector.shape_cast %get3A_632 : vector<1x8x128xf32> to vector<8x128xf32>
      %sub3A_634 = arith.constant 1.000000e+00 : f32
      %sub3A_635 = arith.subf %sub3A_634, %select_n3A_608 : f32
      %mul3A_636 = vector.broadcast %sub3A_635 : f32 to vector<8x128xf32>
      %mul3A_637 = arith.mulf %get3A_603, %mul3A_636 : vector<8x128xf32>
      %add3A_638 = arith.addf %get3A_633, %mul3A_637 : vector<8x128xf32>
      %swap3A_639 = arith.index_cast %max3A_614 : i32 to index
      %swap3A_640 = arith.constant 0 : index
      %swap3A_641 = arith.constant 0 : index
      %swap3A_642 = vector.load %arg14[%swap3A_639, %swap3A_640, %swap3A_641] : memref<5000x8x128xf32, #tpu.memory_space<vmem>>, vector<1x8x128xf32>
      %swap3A_643 = vector.shape_cast %swap3A_642 : vector<1x8x128xf32> to vector<8x128xf32>
      %swap3A_644 = vector.shape_cast %add3A_638 : vector<8x128xf32> to vector<1x8x128xf32>
      tpu.vector_store %arg14[%swap3A_639, %swap3A_640, %swap3A_641], %swap3A_644 {strides = array<i32>} : memref<5000x8x128xf32, #tpu.memory_space<vmem>>, vector<1x8x128xf32>,
    }
    %scan3A_234 = arith.constant 400 : i32
    return
  }
  func.func @transform_0(%arg0: i32) -> (i32, i32, i32) {
    %c0_i32 = arith.constant 0 : i32
    %c0_i32_0 = arith.constant 0 : i32
    %c0_i32_1 = arith.constant 0 : i32
    return %arg0, %c0_i32, %c0_i32_0 : i32, i32, i32
  }
  func.func @transform_1(%arg0: i32) -> (i32, i32, i32) {
    %c0_i32 = arith.constant 0 : i32
    %c0_i32_0 = arith.constant 0 : i32
    %c0_i32_1 = arith.constant 0 : i32
    return %arg0, %c0_i32, %c0_i32_0 : i32, i32, i32
  }
  func.func @transform_2(%arg0: i32) -> (i32, i32, i32) {
    %c0_i32 = arith.constant 0 : i32
    %c0_i32_0 = arith.constant 0 : i32
    %c0_i32_1 = arith.constant 0 : i32
    return %arg0, %c0_i32, %c0_i32_0 : i32, i32, i32
  }
  func.func @transform_3(%arg0: i32) -> (i32, i32, i32) {
    %c0_i32 = arith.constant 0 : i32
    %c0_i32_0 = arith.constant 0 : i32
    %c0_i32_1 = arith.constant 0 : i32
    return %arg0, %c0_i32, %c0_i32_0 : i32, i32, i32
  }
  func.func @transform_4(%arg0: i32) -> (i32, i32, i32) {
    %c0_i32 = arith.constant 0 : i32
    %c0_i32_0 = arith.constant 0 : i32
    %c0_i32_1 = arith.constant 0 : i32
    return %arg0, %c0_i32, %c0_i32_0 : i32, i32, i32
  }
  func.func @transform_5(%arg0: i32) -> (i32, i32) {
    %c0_i32 = arith.constant 0 : i32
    %c0_i32_0 = arith.constant 0 : i32
    %c0_i32_1 = arith.constant 0 : i32
    return %c0_i32, %c0_i32_0 : i32, i32
  }
  func.func @transform_6(%arg0: i32) -> (i32, i32) {
    %c0_i32 = arith.constant 0 : i32
    %c0_i32_0 = arith.constant 0 : i32
    %c0_i32_1 = arith.constant 0 : i32
    return %c0_i32, %c0_i32_0 : i32, i32
  }
  func.func @transform_7(%arg0: i32) -> (i32, i32) {
    %c0_i32 = arith.constant 0 : i32
    %c0_i32_0 = arith.constant 0 : i32
    %c0_i32_1 = arith.constant 0 : i32
    return %c0_i32, %c0_i32_0 : i32, i32
  }
  func.func @transform_8(%arg0: i32) -> (i32, i32) {
    %c0_i32 = arith.constant 0 : i32
    %c0_i32_0 = arith.constant 0 : i32
    %c0_i32_1 = arith.constant 0 : i32
    return %c0_i32, %c0_i32_0 : i32, i32
  }
  func.func @transform_9(%arg0: i32) -> (i32, i32) {
    %c0_i32 = arith.constant 0 : i32
    %c0_i32_0 = arith.constant 0 : i32
    %c0_i32_1 = arith.constant 0 : i32
    return %c0_i32, %c0_i32_0 : i32, i32
  }
  func.func @transform_10(%arg0: i32) -> (i32, i32) {
    %c0_i32 = arith.constant 0 : i32
    %c0_i32_0 = arith.constant 0 : i32
    %c0_i32_1 = arith.constant 0 : i32
    return %c0_i32, %c0_i32_0 : i32, i32
  }
  func.func @transform_11(%arg0: i32) -> (i32, i32) {
    %c0_i32 = arith.constant 0 : i32
    %c0_i32_0 = arith.constant 0 : i32
    %c0_i32_1 = arith.constant 0 : i32
    return %c0_i32, %c0_i32_0 : i32, i32
  }
  func.func @transform_12(%arg0: i32) -> (i32, i32, i32) {
    %c0_i32 = arith.constant 0 : i32
    %c0_i32_0 = arith.constant 0 : i32
    %c0_i32_1 = arith.constant 0 : i32
    %c0_i32_2 = arith.constant 0 : i32
    return %c0_i32, %c0_i32_0, %c0_i32_1 : i32, i32, i32
  }
  func.func @transform_13(%arg0: i32) -> (i32, i32, i32) {
    %c0_i32 = arith.constant 0 : i32
    %c0_i32_0 = arith.constant 0 : i32
    %c0_i32_1 = arith.constant 0 : i32
    %c0_i32_2 = arith.constant 0 : i32
    return %c0_i32, %c0_i32_0, %c0_i32_1 : i32, i32, i32
  }
}

</mosaic_0001>

<sc_bundles>
// kernel: sparse-core-data-format-call.1.cloned.1.call-start
scs
called_computation.1_lowered:
.L_overlay_start_0:
0x0: {  	s2 =	sld [smem:$0x3FD9]  }
0x1: {  	s3 =	sld [smem:$0x3FFE];
	_ =	sdelay $0x1  }
0x2: {  	s1 =	srdreg.scid  }
0x3: {  	s0 =	sand.u32 $0x1, s1  }
0x4: {  	s19 =	sshll.u32 s0, $0xA;
	s2 =	sadd.s32 s3, s2  }
0x5: {  	s2 =	sadd.s32 s2, s19  }
0x6: {  	[smem:$0x3FBE] =	sst s2  }
0x7: {  	_ = 	snop  }
0x8: {  	s2 =	sld [smem:$0x3FC6]  }
0x9: {  	s20 =	sld [smem:$0x3FD0];
	(tm) =	ssettm $0x1  }
0xa: {  	s4 =	sld [smem:$0x3FFB];
	_ =	sdelay $0x3  }
0xb: {  	_ =	strace s4  }
0xc: {  	s4 =	sld [smem:$0x3FFC];
	_ =	sdelay $0x3  }
0xd: {  	_ =	strace s4  }
0xe: {  	s4 =	sld [smem:$0x3FFD];
	_ =	sdelay $0x3  }
0xf: {  	_ =	strace s4  }
0x10: {  	_ =	strace $0x8FFFFFFF  }
0x11: {  	s21 =	sld [smem:$0x3FDB];
	_ =	sdelay $0x1  }
0x12: {  	s5 =	simm.s32 $_scs_section_size  }
0x13: {  	s6 =	simm.s32 $_size__tile_overlayer_lowered;
	s7 =	simm.s32 $_tile_overlayer_lowered  }
0x14: {  	s24 =	simm.s32 $0x1BFF;
	s23 =	sshll.u32 s7, $0x1;
	s4 =	sadd.s32 s5, s21  }
0x15: {  	s8 =	simm.s32 $0x0;
	s22 =	sshll.u32 s6, $0x1;
	s6 =	sadd.s32 s23, s4  }
0x16: {  	[timem:s8], [sflag:s24] =	dma.local [hbm:s6], s22  }
0x17: {  	_ =	swait.ge [sflag:s24], s22  }
0x18: {  	s5 =	ssub.s32 $0x0, s22;
	[sflag:s24] =	ssyncset.done $0x0  }
0x19: {  	[sflag:s24] =	ssyncadd.s32 s5;
	_ =	sdelay $0x1  }
0x1a: {  	s25 =	simm.s32 $0x1B8B  }
0x1b: {  	_ =	swait.ge [sflag:s25], $0x1  }
0x1c: {  	[sflag:s25] =	ssyncset.done $0x0  }
0x1d: {  	s26 =	simm.s32 $0x1B8E;
	[sflag:s25] =	ssyncadd.s32 $0xFFFFFFFF  }
0x1e: {  	s27 =	simm.s32 $execute0_lowered;
	[smem:$0x3FD2] =	sst s26  }
0x1f: {  	s5 =	sshll.u32 s27, $0x1;
	_ =	strace $0x80000046;
	[dreg:$0x1] =	wrdreg $0xFFFFFFFF  }
0x20: {  	s28 =	simm.s32 $_size_execute0_lowered;
	s4 =	sadd.s32 s4, s5;
	[dreg:$0x0] =	wrdreg $0x0  }
0x21: {  	s5 =	sshll.u32 s28, $0x1;
	[dreg:$0x2] =	wrdreg s4  }
0x22: {  	[dreg:$0x3] =	wrdreg s5  }
0x23: {  	[dreg:$0x4] =	wrdreg $0xC0  }
0x24: {  	_ =	task [dreg:s8], $0x5FFFF  }
0x25: {  	[dreg:$0x1] =	wrdreg $0xFFFFFFFF  }
0x26: {  	[dreg:$0x0] =	wrdreg $0x60  }
0x27: {  	[dreg:$0x2] =	wrdreg s2  }
0x28: {  	[dreg:$0x3] =	wrdreg s20  }
0x29: {  	[dreg:$0x4] =	wrdreg $0x9  }
0x2a: {  	_ =	task.clear_ibuf [dreg:s8], $0x5FFFF;
	_ =	strace $0x90000046  }
0x2b: {  	s29 =	simm.s32 $0x9;
	_ =	strace $0x80000048  }
0x2c: {  	_ =	swait.ge [sflag:s29], $0x1  }
0x2d: {  	[sflag:s29] =	ssyncadd.s32 $0xFFFFFFFF  }
0x2e: {  	_ =	strace $0x90000048  }
0x2f: {  	_ =	sfence  }
0x30: {  	s30 =	sld [smem:$0x0];
	_ =	sdelay $0x2  }
0x31: {  	s31 =	sshll.u32 s1, $0xD;
	s1 =	sshrl.u32 s1, $0x2  }
0x32: {  	s3 =	sand.u32 $0x4000, s31;
	s1 =	sadd.s32 s1, s30  }
0x33: {  	s0 =	sor.u32 s3, s0;
	s1 =	sshll.u32 s1, $0x11  }
0x34: {  	s0 =	sor.u32 s1, s0  }
0x35: {  	s0 =	sadd.s32 $0x8F2B, s0  }
0x36: {  	[sflag:s0] =	ssyncadd.remote.s32 $0x1  }
0x37: {  	_ =	sfence.sel $0xFFFF  }
0x38: {  	[dreg:$0x0] =	wrdreg $0xFFFFFFFF;
	(pc) =	sbr.abs _section_cstart, $3  }
0x39: {  	[dreg:$0x1] =	wrdreg $0xFFFFFFFF  }
0x3a: {  	_ =	task.clear_ibuf [dreg:s8], $0x2FFFF;
	_ =	strace $0x9FFFFFFF  }
0x3b: {  	(tm) =	ssettm $0x7FFFFFFF  }
tec
execute0_lowered:
.L_overlay_start_1:
0x0: {  	(tag) =	ssettag $0x1  }
0x1: {  	s0 =	srdreg.scid  }
0x2: {  	s31 =	stileid.u32;
	s2 =	rddreg [dreg:$0x0];
	s1 =	sshll.u32 s0, $0x4  }
0x3: {  	_ =	strace $0x80000047;
	s5 =	simm.s32 $0x1;
	s1 =	sand.u32 $0x10, s1  }
0x4: {  	s8 =	simm.s32 $0x2;
	s15 =	simm.s32 $0x0;
	s1 =	sor.u32 s31, s1  }
0x5: {  	s9 =	simm.s32 $0x0;
	s14 =	simm.s32 $0x0;
	s4 =	sshll.u32 s1, $0x8  }
0x6: {  	s16 =	simm.s32 $0x0;
	s11 =	simm.s32 $0x0;
	s6 =	ssub.s32 $0x27100, s4  }
.Ltmp0:
0x7: {  	s12 =	simm.s32 $0x0;
	s7 =	sand.u32 $0x1F00, s6;
	(pc) =	sbr.rel .LBB1_1-.Ltmp0, $4  }
0x8: {  	s13 =	simm.s32 $0x0;
	p0 =	sne.s32 s7, $0x0;
	s7 =	simm.s32 $0x1  }
0x9: {  	[sflag:s5] =	ssyncpa.u1 $0x0;
	s6 =	sshrl.u32 s6, $0xD;
	s7 =	simm.s32 @!p0 $0x0  }
0xa: {  	s22 =	simm.s32 $0x0;
	[sflag:s8] =	ssyncpa.u1 $0x0;
	s6 =	sadd.s32 s7, s6  }
0xb: {  	s8 =	simm.s32 $0x138800;
	s10 =	smov.u32 s4;
	s7 =	sadd.s32 $0x1, s6  }
.LBB1_7:
0xc: {  	s0 =	sadd.s32 $0x2000, s10  }
0xd: {  	s1 =	sadd.s32 $0x4, s11;
	s3 =	smov.u32 s11;
	p1 =	sgt.s32 s0, $0x270FF  }
0xe: {  	s3 =	smov.u32 @p1 s1  }
0xf: {  	s14 =	sadd.s32 $0x10, s12;
	s17 =	smov.u32 s12;
	p2 =	sgt.s32 s3, $0x3  }
0x10: {  	s17 =	smov.u32 @p2 s14  }
0x11: {  	s0 =	smov.u32 @p1 s4;
	p1 =	sgt.s32 s17, $0xF  }
0x12: {  	p0 =	slt.u32 s13, $0x2;
	s17 =	simm.s32 @p1 $0x0;
	p1 =	sne.s32 s13, s7  }
.Ltmp1:
0x13: {  	s1 =	simm.s32 @!p0 $0x2;
	(pc) =	sbr.rel @!p1 .LBB1_8-.Ltmp1, $4  }
0x14: {  	s15 =	smov.u32 s10;
	s16 =	smov.u32 s12;
	_ =	swait.ge @!p0 [sflag:s1], $0x4000  }
0x15: {  	s9 =	sadd.s32 $0x4000, s9;
	s10 =	smov.u32 s0;
	[sflag:s1] =	ssyncset.done @!p0 $0x0  }
0x16: {  	s3 =	simm.s32 @p2 $0x0;
	s14 =	smov.u32 s11;
	[sflag:s1] =	ssyncadd.s32 @!p0 $0xFFFFC000  }
0x17: {  	s11 =	smov.u32 s3;
	s13 =	sadd.s32 $0x1, s13;
	s12 =	smov.u32 s17  }
.LBB1_1:
0x18: {  	p0 =	sge.u32 s13, s6  }
0x19: {  	s17 =	sshrl.u32 @!p0 s11, $0x2  }
0x1a: {  	s18 =	sshll.u32 @!p0 s10, $0x2;
	s17 =	smul.u32 @!p0 $0x9C400, s17  }
0x1b: {  	s19 =	sshll.u32 @!p0 s11, $0x7;
	s18 =	sand.u32 @!p0 $0xFFFFFE00, s18  }
0x1c: {  	s17 =	sadd.s32 @!p0 s17, s18;
	s18 =	sand.u32 @!p0 $0x180, s19  }
0x1d: {  	s19 =	sand.u32 @!p0 $0x7F, s10;
	s17 =	sor.u32 @!p0 s18, s17  }
0x1e: {  	s18 =	sor.u32 @!p0 s19, s17  }
0x1f: {  	s19 =	smulhi.u32 @!p0 $0xD1B71759, s18  }
0x20: {  	s17 =	smulhi.u32 @!p0 $0xD1B71759, s17  }
0x21: {  	s19 =	sshrl.u32 @!p0 s19, $0x11  }
0x22: {  	s31 =	sadd.s32 $0xFFFFFFFF, s13;
	s17 =	sshrl.u32 @!p0 s17, $0x11;
	s19 =	smul.u32 @!p0 $0x27100, s19  }
0x23: {  	s20 =	sxor.u32 @!p0 $0xFFFFFFFF, s13;
	s21 =	smul.u32 @!p0 $0x13880, s12;
	s17 =	sand.u32 @!p0 $0x3, s17  }
0x24: {  	s20 =	sshll.u32 @!p0 s20, $0xE;
	s17 =	smul.u32 @!p0 $0x4E20, s17;
	s18 =	ssub.s32 @!p0 s18, s19  }
0x25: {  	s19 =	sand.u32 @!p0 $0x4000, s20;
	s20 =	sadd.s32 @!p0 s2, s21;
	s21 =	sand.u32 @!p0 $0x7, s18  }
0x26: {  	s18 =	sshrl.u32 @!p0 s18, $0x3;
	s17 =	sadd.s32 @!p0 s17, s20;
	s20 =	sshll.u32 @!p0 s21, $0x12  }
0x27: {  	s17 =	sadd.s32 @!p0 s18, s17;
	s18 =	sor.u32 @!p0 $0x400, s20;
	s20 =	simm.s32 @!p0 $0x9C400  }
0x28: {  	[tilespmem:s19], [sflag:$0x1] =	stream.strided.gather @!p0 [hbm4b:s17+s18], $0x4000, s20, s18, $0x38;
	[tilespmem:$0x10000] =	vst v63  }
0x29: {  	p0 =	sge.u32 s31, s6  }
.Ltmp2:
0x2a: {  	_ = 	snop;
	(pc) =	sbr.rel @p0 .LBB1_7-.Ltmp2, $1  }
0x2b: {  	_ =	sdelay $0x3  }
0x2c: {  	s17 =	sshll.u32 s9, $0x2  }
0x2d: {  	_ =	swait.ge [sflag:s5], $0x4000;
	s31 =	sshll.u32 s13, $0xE;
	p0 =	por $0x0, $0x0  }
0x2e: {  	s23 =	simm.s32 $0x0;
	s24 =	simm.s32 $0x0;
	s25 =	simm.s32 $0x0  }
0x2f: {  	s17 =	sand.u32 $0x10000, s17;
	[sflag:s5] =	ssyncset.done $0x0;
	s19 =	sand.u32 $0x4000, s31  }
0x30: {  	s21 =	sshrl.u32 s17, $0x2;
	[sflag:s5] =	ssyncadd.s32 $0xFFFFC000;
	s17 =	sor.u32 $0x8000, s19  }
0x31: {  	s18 =	sor.u32 $0x40, s21;
	s20 =	sor.u32 $0x8000, s21;
	s21 =	sadd.s32 $0x8470, s21  }
.LBB1_3:
0x32: {  	v1 =	vld [tilespmem:s18+$0x200]  }
0x33: {  	s26 =	sand.u32 $0x7, s23;
	s27 =	sshll.u32 s24, $0x2;
	v2 =	vld [tilespmem:s18+$0x0]  }
0x34: {  	v4 =	vld [tilespmem:s18+$0x1D0];
	s27 =	sand.u32 $0xFFFFE000, s27;
	s26 =	sshll.u32 s26, $0x9  }
0x35: {  	s28 =	simm.s32 $0x1;
	v6 =	vld [tilespmem:s18+$0x220];
	s27 =	sor.u32 s26, s27  }
0x36: {  	v9 =	vld [tilespmem:s18+$0x230];
	s28 =	simm.s32 @!p0 $0x0;
	s26 =	sand.u32 $0xFFFFEC00, s27;
	s27 =	sshrl.u32 s27, $0x2  }
0x37: {  	v10 =	vld [tilespmem:s18+$0x210];
	s28 =	sshll.u32 s28, $0x9;
	s27 =	sadd.s32 s27, s21  }
0x38: {  	v7 =	vld [tilespmem:s18+$0x1E0];
	s26 =	sor.u32 s28, s26;
	s28 =	sshll.u32 s25, $0xA;
	[tilespmem:s27+$0xFFFFFFD0] =	vst v1  }
0x39: {  	v5 =	vld [tilespmem:s18+$0x20];
	v0 =	vmov s28;
	[tilespmem:s27+$0xFFFFFFA0] =	vst v4  }
0x3a: {  	v3 =	vld [tilespmem:s18+$0x30];
	[tilespmem:s27+$0xFFFFFFF0] =	vst v6  }
0x3b: {  	v8 =	vld [tilespmem:s18+$0xFFFFFFC0];
	s28 =	sand.u32 $0x100, s22;
	[tilespmem:s27+$0x0] =	vst v9  }
0x3c: {  	s29 =	sand.u32 $0x80, s22;
	s26 =	sshrl.u32 s26, $0x2;
	v1 =	vld [tilespmem:s18+$0x1F0];
	[tilespmem:s27+$0xFFFFFFE0] =	vst v10;
	s28 =	sadd.s32 s28, s19  }
0x3d: {  	v4 =	vld [tilespmem:s18+$0xFFFFFFF0];
	[tilespmem:s27+$0xFFFFFFB0] =	vst v7;
	s26 =	sadd.s32 s26, s20;
	s28 =	sadd.s32 s29, s28  }
0x3e: {  	[tilespmem:s26+$0x60] =	vst v5;
	v5 =	vld.idx.msk [tilespmem:v0+s28+$0x200 ss:$0x1], $0xffff  }
0x3f: {  	[tilespmem:s26+$0x40] =	vst v2;
	v2 =	vld [tilespmem:s18+$0xFFFFFFD0]  }
0x40: {  	s31 =	simm.s32 $0x80;
	[tilespmem:s26+$0x70] =	vst v3;
	v3 =	vld [tilespmem:s18+$0x10]  }
0x41: {  	v6 =	vld [tilespmem:s18+$0xFFFFFFE0];
	[tilespmem:s26+$0x0] =	vst v8;
	s29 =	sadd.s32 $0x1000, s27;
	s30 =	smov.u32 s26;
	s28 =	sadd.s32 $0x80, s18  }
.LBB1_4:
0x42: {  	s1 =	sand.u32 $0x100, s31  }
0x43: {  	v7 =	vld [tilespmem:s28+$0x200];
	[tilespmem:s26+$0x400] =	vst v5;
	s30 =	sadd.s32 $0x1000, s30;
	s0 =	smov.u32 s31;
	s3 =	sadd.s32 $0x80, s31  }
0x44: {  	p1 =	sne.s32 s31, $0x180;
	v5 =	vld [tilespmem:s28+$0x0];
	s0 =	sand.u32 $0x80, s0;
	s1 =	sadd.s32 s1, s19;
	[tilespmem:s26+$0x10] =	vst v2  }
0x45: {  	v2 =	vld [tilespmem:s28+$0x30];
	s0 =	sadd.s32 s0, s1;
	[tilespmem:s26+$0x50] =	vst v3  }
0x46: {  	v3 =	vld [tilespmem:s28+$0x1D0];
	[tilespmem:s26+$0x30] =	vst v4  }
0x47: {  	v4 =	vld [tilespmem:s28+$0x20];
	[tilespmem:s26+$0x20] =	vst v6;
	s26 =	smov.u32 s30  }
0x48: {  	v8 =	vld [tilespmem:s28+$0x1E0];
	[tilespmem:s27+$0xFFFFFFC0] =	vst v1;
	s27 =	smov.u32 s29  }
0x49: {  	[tilespmem:s30+$0x40] =	vst v5;
	v1 =	vld [tilespmem:s28+$0x220]  }
0x4a: {  	v6 =	vld [tilespmem:s28+$0xFFFFFFC0];
	[tilespmem:s30+$0x70] =	vst v2  }
0x4b: {  	[tilespmem:s29+$0xFFFFFFD0] =	vst v7;
	v7 =	vld [tilespmem:s28+$0x230]  }
0x4c: {  	[tilespmem:s29+$0xFFFFFFA0] =	vst v3;
	v9 =	vld [tilespmem:s28+$0x210]  }
0x4d: {  	[tilespmem:s30+$0x60] =	vst v4;
	v5 =	vld.idx.msk [tilespmem:v0+s0+$0x200 ss:$0x1], $0xffff  }
.Ltmp3:
0x4e: {  	v2 =	vld [tilespmem:s28+$0xFFFFFFD0];
	[tilespmem:s29+$0xFFFFFFF0] =	vst v1;
	(pc) =	sbr.rel @p1 .LBB1_4-.Ltmp3, $4  }
0x4f: {  	[tilespmem:s30+$0x0] =	vst v6;
	v1 =	vld [tilespmem:s28+$0x1F0]  }
0x50: {  	v3 =	vld [tilespmem:s28+$0x10];
	[tilespmem:s29+$0x0] =	vst v7  }
0x51: {  	v4 =	vld [tilespmem:s28+$0xFFFFFFF0];
	[tilespmem:s29+$0xFFFFFFE0] =	vst v9  }
0x52: {  	s31 =	smov.u32 s3;
	s29 =	sadd.s32 $0x1000, s29;
	v6 =	vld [tilespmem:s28+$0xFFFFFFE0];
	[tilespmem:s27+$0xFFFFFFB0] =	vst v8;
	s28 =	sadd.s32 $0x80, s28  }
0x53: {  	s25 =	sadd.s32 $0x1, s25  }
0x54: {  	[tilespmem:s26+$0x400] =	vst v5;
	p1 =	sne.s32 s25, $0x10  }
.Ltmp4:
0x55: {  	[tilespmem:s26+$0x10] =	vst v2;
	(pc) =	sbr.rel @p1 .LBB1_3-.Ltmp4, $4  }
0x56: {  	[tilespmem:s27+$0xFFFFFFC0] =	vst v1  }
0x57: {  	[tilespmem:s26+$0x50] =	vst v3  }
0x58: {  	s18 =	sadd.s32 $0x400, s18;
	[tilespmem:s26+$0x30] =	vst v4  }
0x59: {  	s24 =	sadd.s32 $0x100, s24;
	s23 =	sadd.s32 $0x1, s23;
	p0 =	por !p0, !p0;
	[tilespmem:s26+$0x20] =	vst v6  }
0x5a: {  	s0 =	sshrl.u32 s16, $0x3  }
0x5b: {  	s1 =	sshll.u32 s15, $0x3;
	s0 =	smul.u32 $0x138800, s0  }
0x5c: {  	s3 =	sshll.u32 s16, $0x7;
	s1 =	sand.u32 $0xFFFFFC00, s1  }
0x5d: {  	s26 =	sand.u32 $0x380, s3;
	s0 =	sadd.s32 s0, s1  }
0x5e: {  	s27 =	sand.u32 $0x7F, s15;
	s0 =	sor.u32 s26, s0  }
0x5f: {  	s1 =	sor.u32 s27, s0;
	s0 =	smulhi.u32 $0xD1B71759, s0  }
0x60: {  	s3 =	smulhi.u32 $0xD1B71759, s1;
	_ =	sdelay $0x1  }
0x61: {  	s14 =	smul.u32 $0x4E200, s14;
	s0 =	sshrl.u32 s0, $0x11;
	s3 =	sshrl.u32 s3, $0x11  }
0x62: {  	s0 =	sand.u32 $0xF, s0;
	s3 =	smul.u32 $0x27100, s3  }
0x63: {  	s0 =	smul.u32 $0x4E20, s0  }
.Ltmp5:
0x64: {  	s28 =	rddreg [dreg:$0x1];
	s1 =	ssub.s32 s1, s3;
	(pc) =	sbr.rel .LBB1_7-.Ltmp5, $4  }
0x65: {  	s3 =	sadd.s32 s28, s14;
	s29 =	sand.u32 $0x7, s1  }
0x66: {  	s1 =	sshrl.u32 s1, $0x3;
	s0 =	sadd.s32 s0, s3;
	s30 =	sshll.u32 s29, $0x12  }
0x67: {  	s0 =	sadd.s32 s1, s0;
	s31 =	sor.u32 $0x800, s30  }
0x68: {  	[hbm4b:s0+s31] =	stream.strided.scatter [tilespmem:s17], [sflag:$0x2], $0x4000, s8, s31, $0x38;
	[tilespmem:$0x10000] =	vst v63  }
.LBB1_8:
0x69: {  	_ =	sfence.sel $0x180000  }
0x6a: {  	s0 =	simm.s32 $0x1;
	[bflag:$0x0] =	sbarrier.arrive $0xFFFF  }
0x6b: {  	s30 =	simm.s32 $0x2;
	[sflag:s0] =	ssyncpa.u1 $0x1  }
0x6c: {  	[sflag:s30] =	ssyncpa.u1 $0x1  }
0x6d: {  	_ =	strace $0x90000047  }
0x6e: {  	s31 =	stileid.u32;
	[bflag:$0x2] =	sbarrier.arrive $0xFFFF  }
0x6f: {  	p0 =	sne.s32 s31, $0x0;
	s0 =	rddreg [dreg:$0x2]  }
0x70: {  	s0 =	sadd.s32 @!p0 $0x100000, s0  }
0x71: {  	[sflag:s0] =	ssyncadd.tile.s32 @!p0 $0x1;
	_ =	shalt  }
.Lfunc_end1:
_tile_overlayer_lowered:
.L_overlay_start_2:
0x72: {  	(tag) =	ssettag $0x2  }
0x73: {  	s0 =	rddreg [dreg:$0x0];
	s2 =	stileid.u32  }
0x74: {  	s1 =	rddreg [dreg:$0x1];
	p0 =	sne.s32 s2, $0x0  }
0x75: {  	s3 =	rddreg [dreg:$0x2];
	[bflag:$0x3] =	sbarrier.arrive $0xFFFF;
	s2 =	simm.s32 @!p0 $0x1C01  }
0x76: {  	[timem:s3], [sflag:s2] =	dma.local @!p0 [hbm:s0], s1  }
0x77: {  	s0 =	simm.s32 @!p0 $0x1  }
0x78: {  	_ =	swait.ge @!p0 [sflag:s0], s1  }
0x79: {  	s1 =	ssub.s32 @!p0 $0x0, s1;
	[sflag:s0] =	ssyncset.done @!p0 $0x0  }
0x7a: {  	[sflag:s0] =	ssyncadd.s32 @!p0 s1  }
0x7b: {  	[bflag:$0x3] =	sbarrier.arrive $0xFFFF  }
0x7c: {  	_ =	shalt  }

// kernel: sparse-core-data-format-call.cloned.1.call-start
scs
called_computation_lowered:
.L_overlay_start_0:
0x0: {  	s2 =	sld [smem:$0x3FD9]  }
0x1: {  	s3 =	sld [smem:$0x3FFE];
	_ =	sdelay $0x1  }
0x2: {  	s1 =	srdreg.scid  }
0x3: {  	s0 =	sand.u32 $0x1, s1  }
0x4: {  	s18 =	sshll.u32 s0, $0xA;
	s2 =	sadd.s32 s3, s2  }
0x5: {  	s2 =	sadd.s32 s2, s18  }
0x6: {  	[smem:$0x3FBE] =	sst s2  }
0x7: {  	_ = 	snop  }
0x8: {  	s2 =	sld [smem:$0x3FD0];
	(tm) =	ssettm $0x1  }
0x9: {  	s19 =	sld [smem:$0x3FFB];
	_ =	sdelay $0x3  }
0xa: {  	_ =	strace s19  }
0xb: {  	s3 =	sld [smem:$0x3FFC];
	_ =	sdelay $0x3  }
0xc: {  	_ =	strace s3  }
0xd: {  	s3 =	sld [smem:$0x3FFD];
	_ =	sdelay $0x3  }
0xe: {  	_ =	strace s3  }
0xf: {  	_ =	strace $0x8FFFFFFF  }
0x10: {  	s20 =	sld [smem:$0x3FDB];
	_ =	sdelay $0x1  }
0x11: {  	s4 =	simm.s32 $_scs_section_size  }
0x12: {  	s5 =	simm.s32 $_size__tile_overlayer_lowered;
	s6 =	simm.s32 $_tile_overlayer_lowered  }
0x13: {  	s23 =	simm.s32 $0x1BFF;
	s22 =	sshll.u32 s6, $0x1;
	s3 =	sadd.s32 s4, s20  }
0x14: {  	s7 =	simm.s32 $0x0;
	s21 =	sshll.u32 s5, $0x1;
	s5 =	sadd.s32 s22, s3  }
0x15: {  	[timem:s7], [sflag:s23] =	dma.local [hbm:s5], s21  }
0x16: {  	_ =	swait.ge [sflag:s23], s21  }
0x17: {  	s4 =	ssub.s32 $0x0, s21;
	[sflag:s23] =	ssyncset.done $0x0  }
0x18: {  	[sflag:s23] =	ssyncadd.s32 s4;
	_ =	sdelay $0x1  }
0x19: {  	s24 =	simm.s32 $0x1B8B  }
0x1a: {  	_ =	swait.ge [sflag:s24], $0x1  }
0x1b: {  	[sflag:s24] =	ssyncset.done $0x0  }
0x1c: {  	s26 =	simm.s32 $0x1B8E;
	s25 =	sld [smem:$0x3FFE];
	[sflag:s24] =	ssyncadd.s32 $0xFFFFFFFF  }
0x1d: {  	s27 =	simm.s32 $execute0_lowered;
	[smem:$0x3FD2] =	sst s26  }
0x1e: {  	s5 =	sshll.u32 s27, $0x1;
	_ =	strace $0x80000049;
	[dreg:$0x1] =	wrdreg $0xFFFFFFFF  }
0x1f: {  	s28 =	simm.s32 $_size_execute0_lowered;
	s3 =	sadd.s32 s3, s5;
	[dreg:$0x0] =	wrdreg $0x0  }
0x20: {  	s5 =	sshll.u32 s28, $0x1;
	[dreg:$0x2] =	wrdreg s3  }
0x21: {  	[dreg:$0x3] =	wrdreg s5  }
0x22: {  	[dreg:$0x4] =	wrdreg $0xC0  }
0x23: {  	_ =	task [dreg:s7], $0x5FFFF  }
0x24: {  	[dreg:$0x1] =	wrdreg $0xFFFFFFFF  }
0x25: {  	[dreg:$0x0] =	wrdreg $0x60  }
0x26: {  	[dreg:$0x2] =	wrdreg s25  }
0x27: {  	[dreg:$0x3] =	wrdreg s2  }
0x28: {  	[dreg:$0x4] =	wrdreg $0x9  }
0x29: {  	_ =	task.clear_ibuf [dreg:s7], $0x5FFFF;
	_ =	strace $0x90000049  }
0x2a: {  	s29 =	simm.s32 $0x9;
	_ =	strace $0x8000004B  }
0x2b: {  	_ =	swait.ge [sflag:s29], $0x1  }
0x2c: {  	[sflag:s29] =	ssyncadd.s32 $0xFFFFFFFF  }
0x2d: {  	_ =	strace $0x9000004B  }
0x2e: {  	_ =	sfence  }
0x2f: {  	s30 =	sld [smem:$0x0];
	_ =	sdelay $0x2  }
0x30: {  	s31 =	sshll.u32 s1, $0xD;
	s1 =	sshrl.u32 s1, $0x2  }
0x31: {  	s3 =	sand.u32 $0x4000, s31;
	s1 =	sadd.s32 s1, s30  }
0x32: {  	s0 =	sor.u32 s3, s0;
	s1 =	sshll.u32 s1, $0x11  }
0x33: {  	s0 =	sor.u32 s1, s0  }
0x34: {  	s0 =	sadd.s32 $0x8F2B, s0  }
0x35: {  	[sflag:s0] =	ssyncadd.remote.s32 $0x1  }
0x36: {  	_ =	sfence.sel $0xFFFF  }
0x37: {  	[dreg:$0x0] =	wrdreg $0xFFFFFFFF;
	(pc) =	sbr.abs _section_cstart, $3  }
0x38: {  	[dreg:$0x1] =	wrdreg $0xFFFFFFFF  }
0x39: {  	_ =	task.clear_ibuf [dreg:s7], $0x2FFFF;
	_ =	strace $0x9FFFFFFF  }
0x3a: {  	(tm) =	ssettm $0x7FFFFFFF  }
0x3b: {  	_ =	shalt  }
tec
execute0_lowered:
.L_overlay_start_1:
0x0: {  	(tag) =	ssettag $0x1  }
0x1: {  	s0 =	srdreg.scid;
	s4 =	rddreg [dreg:$0x0]  }
0x2: {  	s2 =	rddreg [dreg:$0x1];
	s31 =	simm.s32 $0x2;
	s1 =	sshll.u32 s0, $0x4  }
0x3: {  	s12 =	simm.s32 $0x0;
	s0 =	stileid.u32;
	s1 =	sand.u32 $0x10, s1  }
0x4: {  	p0 =	por $0x0, $0x0;
	s9 =	simm.s32 $0x13C00;
	s3 =	sor.u32 s0, s1  }
0x5: {  	s13 =	simm.s32 $0x0;
	s11 =	simm.s32 $0x0;
	s3 =	sshrl.u32 s3, $0x2  }
.Ltmp0:
0x6: {  	s6 =	sshll.u32 s0, $0x7;
	s5 =	sshll.u32 s3, $0x4;
	(pc) =	sbr.rel .LBB1_1-.Ltmp0, $4  }
0x7: {  	s1 =	rddreg [dreg:$0x2];
	s7 =	sadd.s32 s5, s4;
	s4 =	sand.u32 $0x180, s6  }
0x8: {  	_ =	strace $0x8000004A;
	s5 =	simm.s32 $0x1;
	s8 =	ssub.s32 $0x2700, s4  }
0x9: {  	[sflag:s5] =	ssyncpa.u1 $0x0;
	s7 =	sadd.s32 $0x2600, s7;
	s6 =	sshrl.u32 s8, $0x9  }
0xa: {  	s10 =	smov.u32 s4;
	[sflag:s31] =	ssyncpa.u1 $0x0;
	s8 =	sadd.s32 $0x2, s6  }
.LBB1_5:
0xb: {  	s14 =	sadd.s32 $0x200, s10  }
0xc: {  	p2 =	sgt.s32 s14, $0x270F  }
0xd: {  	s14 =	smov.u32 @p2 s4;
	p2 =	sne.s32 s11, s8  }
.Ltmp1:
0xe: {  	p1 =	slt.u32 s11, $0x2;
	(pc) =	sbr.rel @!p2 .LBB1_6-.Ltmp1, $4  }
0xf: {  	s12 =	simm.s32 @!p1 $0x2  }
0x10: {  	s15 =	sadd.s32 $0x1, s11;
	s13 =	smov.u32 s10;
	_ =	swait.ge @!p1 [sflag:s12], $0x4000  }
0x11: {  	p0 =	por !p0, !p0;
	s11 =	smov.u32 s15;
	[sflag:s12] =	ssyncset.done @!p1 $0x0  }
0x12: {  	s10 =	smov.u32 s14;
	[sflag:s12] =	ssyncadd.s32 @!p1 $0xFFFFC000;
	s12 =	smov.u32 s3  }
.LBB1_1:
0x13: {  	p1 =	sgt.u32 s11, s6  }
0x14: {  	p2 =	sgt.s32 @!p1 s10, $0x2690  }
0x15: {  	s14 =	smov.u32 s10;
	s15 =	sshra.s32 @!p1 s10, $0x1F;
	p2 =	por !p2, p1  }
0x16: {  	s15 =	sand.u32 @!p1 s15, s10;
	s14 =	simm.s32 @p2 $0x2690  }
0x17: {  	s14 =	ssub.s32 @!p1 s14, s15  }
0x18: {  	s16 =	sxor.u32 @!p1 $0xFFFFFFFF, s11;
	s14 =	sadd.s32 @!p1 $0xFFFFD970, s14  }
0x19: {  	s17 =	simm.s32 @!p1 $0x80;
	s18 =	simm.s32 @!p1 $0x400;
	s15 =	sshll.u32 @!p1 s14, $0x7  }
0x1a: {  	p2 =	sgt.s32 @!p1 s14, $0x7F;
	s14 =	ssub.s32 @!p1 $0x4000, s15;
	s15 =	sshll.u32 @!p1 s16, $0xE  }
0x1b: {  	p2 =	por !p2, p1;
	s16 =	sshll.u32 @!p1 s10, $0x7;
	s14 =	sand.u32 @!p1 $0x3FFFFF80, s14  }
0x1c: {  	s15 =	sand.u32 @!p1 $0x4000, s15;
	s16 =	sadd.s32 @!p1 s16, s7;
	s14 =	simm.s32 @!p2 $0x0  }
0x1d: {  	[tilespmem:s15], [sflag:$0x1] =	stream.strided.gather @!p1 [hbm4b:s16+s17], s14, s18, s17, $0x38;
	[tilespmem:$0x10100] =	vst v63  }
0x1e: {  	p1 =	seq.s32 s11, $0x0  }
0x1f: {  	p2 =	sge.u32 @!p1 s11, s8  }
0x20: {  	p1 =	por p1, p2  }
.Ltmp2:
0x21: {  	_ = 	snop;
	(pc) =	sbr.rel @p1 .LBB1_5-.Ltmp2, $1  }
0x22: {  	_ =	sdelay $0x3  }
0x23: {  	p1 =	sgt.s32 s13, $0x2690;
	s14 =	smov.u32 s13;
	s15 =	sshra.s32 s13, $0x1F  }
0x24: {  	s14 =	simm.s32 @!p1 $0x2690;
	s15 =	sand.u32 s15, s13  }
0x25: {  	s14 =	ssub.s32 s14, s15  }
0x26: {  	s14 =	sadd.s32 $0xFFFFD970, s14  }
0x27: {  	s29 =	sshll.u32 s14, $0x7  }
0x28: {  	s15 =	ssub.s32 $0x4000, s29  }
0x29: {  	p1 =	sgt.s32 s14, $0x7F;
	s14 =	sand.u32 $0x3FFFFF80, s15  }
0x2a: {  	s15 =	simm.s32 $0x1;
	s14 =	simm.s32 @p1 $0x0  }
0x2b: {  	s15 =	simm.s32 @!p0 $0x0;
	_ =	swait.ge [sflag:s5], s14  }
0x2c: {  	s16 =	sshll.u32 s15, $0xE;
	s14 =	ssub.s32 $0x0, s14;
	[sflag:s5] =	ssyncset.done $0x0  }
0x2d: {  	s17 =	sor.u32 $0x40, s16;
	[sflag:s5] =	ssyncadd.s32 s14  }
0x2e: {  	s30 =	smul.u32 $0x10200, s15;
	v0 =	vld [tilespmem:s17+$0x30]  }
0x2f: {  	v1 =	vld [tilespmem:s17+$0xFFFFFFD0]  }
0x30: {  	s14 =	sshrl.u32 s30, $0x2;
	v5 =	vld [tilespmem:s17+$0xFFFFFFE0]  }
0x31: {  	s15 =	sor.u32 $0x8000, s14;
	v6 =	vld [tilespmem:s17+$0xFFFFFFF0]  }
0x32: {  	s31 =	sand.u32 $0x1, s11;
	v3 =	vld [tilespmem:s17+$0x0];
	s16 =	sadd.s32 $0x0, s15  }
0x33: {  	s14 =	smul.u32 $0x10200, s31;
	v4 =	vld [tilespmem:s17+$0x10];
	[tilespmem:s16+$0x3870 ss:$0x81] =	vst.msk $0xffff, v0  }
0x34: {  	v2 =	vld [tilespmem:s17+$0x20];
	[tilespmem:s16+$0x810 ss:$0x81] =	vst.msk $0xffff, v1  }
0x35: {  	s14 =	sshrl.u32 s14, $0x2;
	v0 =	vld [tilespmem:s17+$0xFFFFFFC0];
	[tilespmem:s16+$0x1020 ss:$0x81] =	vst.msk $0xffff, v5;
	s17 =	sadd.s32 $0x80, s17  }
0x36: {  	s18 =	simm.s32 $0x4;
	s19 =	simm.s32 $0x8;
	s14 =	sor.u32 $0x8000, s14;
	[tilespmem:s16+$0x1830 ss:$0x81] =	vst.msk $0xffff, v6;
	v1 =	vld [tilespmem:s17+$0x30]  }
.LBB1_3:
0x37: {  	p1 =	sne.s32 s19, $0x1FC;
	v5 =	vld [tilespmem:s17+$0xFFFFFFD0];
	[tilespmem:s16+$0x2040 ss:$0x81] =	vst.msk $0xffff, v3  }
0x38: {  	v6 =	vld [tilespmem:s17+$0xFFFFFFE0];
	[tilespmem:s16+$0x2850 ss:$0x81] =	vst.msk $0xffff, v4  }
0x39: {  	s20 =	sshra.s32 s18, $0x2;
	s18 =	smov.u32 s19;
	v7 =	vld [tilespmem:s17+$0xFFFFFFF0];
	[tilespmem:s16+$0x3060 ss:$0x81] =	vst.msk $0xffff, v2  }
.Ltmp3:
0x3a: {  	v3 =	vld [tilespmem:s17+$0x0];
	[tilespmem:s16+$0x0 ss:$0x81] =	vst.msk $0xffff, v0;
	s16 =	sadd.s32 s20, s15;
	(pc) =	sbr.rel @p1 .LBB1_3-.Ltmp3, $4  }
0x3b: {  	v4 =	vld [tilespmem:s17+$0x10];
	[tilespmem:s16+$0x3870 ss:$0x81] =	vst.msk $0xffff, v1  }
0x3c: {  	[tilespmem:s16+$0x810 ss:$0x81] =	vst.msk $0xffff, v5;
	v2 =	vld [tilespmem:s17+$0x20]  }
0x3d: {  	v0 =	vld [tilespmem:s17+$0xFFFFFFC0];
	[tilespmem:s16+$0x1020 ss:$0x81] =	vst.msk $0xffff, v6;
	s17 =	sadd.s32 $0x80, s17  }
0x3e: {  	s19 =	sadd.s32 $0x4, s19;
	v1 =	vld [tilespmem:s17+$0x30];
	[tilespmem:s16+$0x1830 ss:$0x81] =	vst.msk $0xffff, v7  }
0x3f: {  	v5 =	vld [tilespmem:s17+$0xFFFFFFD0];
	[tilespmem:s16+$0x2040 ss:$0x81] =	vst.msk $0xffff, v3;
	s19 =	sshll.u32 s13, $0x3  }
0x40: {  	v58 =	vld [tilespmem:s17+$0xFFFFFFE0];
	s24 =	sand.u32 $0x7F, s13;
	[tilespmem:s16+$0x2850 ss:$0x81] =	vst.msk $0xffff, v4;
	s19 =	sand.u32 $0xFFFFFC00, s19  }
0x41: {  	s18 =	sshra.s32 s18, $0x2;
	v59 =	vld [tilespmem:s17+$0xFFFFFFF0];
	[tilespmem:s16+$0x3060 ss:$0x81] =	vst.msk $0xffff, v2;
	s13 =	sor.u32 s24, s19;
	s26 =	smulhi.u32 $0xCF6474A9, s19  }
0x42: {  	v60 =	vld [tilespmem:s17+$0x0];
	s15 =	sadd.s32 s18, s15;
	[tilespmem:s16+$0x0 ss:$0x81] =	vst.msk $0xffff, v0;
	s25 =	smulhi.u32 $0xCF6474A9, s13  }
0x43: {  	v61 =	vld [tilespmem:s17+$0x10];
	[tilespmem:s15+$0x3870 ss:$0x81] =	vst.msk $0xffff, v1  }
0x44: {  	v62 =	vld [tilespmem:s17+$0x20];
	s12 =	smul.u32 $0x27800, s12;
	s27 =	sshrl.u32 s26, $0xD;
	[tilespmem:s15+$0x810 ss:$0x81] =	vst.msk $0xffff, v5;
	s16 =	sshrl.u32 s25, $0xD  }
0x45: {  	v63 =	vld [tilespmem:s17+$0xFFFFFFC0];
	[tilespmem:s15+$0x1020 ss:$0x81] =	vst.msk $0xffff, v58;
	s17 =	sand.u32 $0x7F, s27;
	s16 =	smul.u32 $0x2780, s16  }
0x46: {  	[tilespmem:s15+$0x1830 ss:$0x81] =	vst.msk $0xffff, v59;
	s28 =	smul.u32 $0x4F0, s17  }
.Ltmp4:
0x47: {  	[tilespmem:s15+$0x2040 ss:$0x81] =	vst.msk $0xffff, v60;
	s13 =	ssub.s32 s13, s16;
	(pc) =	sbr.rel .LBB1_5-.Ltmp4, $4  }
0x48: {  	s12 =	sadd.s32 s2, s12;
	[tilespmem:s15+$0x2850 ss:$0x81] =	vst.msk $0xffff, v61;
	s29 =	sand.u32 $0x7, s13  }
0x49: {  	[tilespmem:s15+$0x3060 ss:$0x81] =	vst.msk $0xffff, v62;
	s12 =	sadd.s32 s28, s12;
	s13 =	sshrl.u32 s13, $0x3;
	s30 =	sshll.u32 s29, $0x12  }
0x4a: {  	[tilespmem:s15+$0x0 ss:$0x81] =	vst.msk $0xffff, v63;
	s12 =	sadd.s32 s13, s12;
	s31 =	sor.u32 $0x400, s30  }
0x4b: {  	[hbm4b:s12+s31] =	stream.strided.scatter [tilespmem:s14], [sflag:$0x2], $0x4000, s9, s31, $0x20;
	[tilespmem:$0x10100] =	vst v63  }
.LBB1_6:
0x4c: {  	_ =	sfence.sel $0x180000  }
0x4d: {  	s2 =	simm.s32 $0x1;
	[bflag:$0x0] =	sbarrier.arrive $0xFFFF  }
0x4e: {  	s31 =	simm.s32 $0x2;
	[sflag:s2] =	ssyncpa.u1 $0x1  }
0x4f: {  	[sflag:s31] =	ssyncpa.u1 $0x1  }
0x50: {  	p0 =	sne.s32 s0, $0x0;
	_ =	strace $0x9000004A  }
0x51: {  	s0 =	sadd.s32 @!p0 $0x100000, s1;
	[bflag:$0x2] =	sbarrier.arrive $0xFFFF  }
0x52: {  	[sflag:s0] =	ssyncadd.tile.s32 @!p0 $0x1;
	_ =	shalt  }
.Lfunc_end1:
_tile_overlayer_lowered:
.L_overlay_start_2:
0x53: {  	(tag) =	ssettag $0x2  }
0x54: {  	s0 =	rddreg [dreg:$0x0];
	s2 =	stileid.u32  }
0x55: {  	s1 =	rddreg [dreg:$0x1];
	p0 =	sne.s32 s2, $0x0  }
0x56: {  	s3 =	rddreg [dreg:$0x2];
	[bflag:$0x3] =	sbarrier.arrive $0xFFFF;
	s2 =	simm.s32 @!p0 $0x1C01  }
0x57: {  	[timem:s3], [sflag:s2] =	dma.local @!p0 [hbm:s0], s1  }
0x58: {  	s0 =	simm.s32 @!p0 $0x1  }
0x59: {  	_ =	swait.ge @!p0 [sflag:s0], s1  }
0x5a: {  	s1 =	ssub.s32 @!p0 $0x0, s1;
	[sflag:s0] =	ssyncset.done @!p0 $0x0  }
0x5b: {  	[sflag:s0] =	ssyncadd.s32 @!p0 s1  }
0x5c: {  	[bflag:$0x3] =	sbarrier.arrive $0xFFFF  }
0x5d: {  	_ =	shalt  }

</sc_bundles>
